<compile_context>
chip_gen: v7x
topology: tpu7x:2x2x1
jax: 0.10.2.dev20260603
libtpu: 0.0.44.dev20260713+nightly
codegen_flags: <defaults>
</compile_context>

<pallas_src>
import functools

import jax
import jax.numpy as jnp
from jax import lax
from jax.experimental import pallas as pl
from jax.experimental.pallas import tpu as pltpu
from jax.experimental.pallas import tpu_sc as plsc

_V = 1000000
_D = 64
_B = 16384
_L = 50
_NC = 2
_NS = 16
_NW = _NC * _NS
_BW = _B // _NW
_NCOL = _BW // 128
_NGRP = _NCOL * _L
_LP = 56
_NBUF = 4
_LA = 3

_mesh = plsc.VectorSubcoreMesh(core_axis_name="c", subcore_axis_name="s")


@functools.partial(
    pl.kernel,
    out_type=jax.ShapeDtypeStruct((_L, _D, _B), jnp.float32),
    scratch_types=[
        pltpu.VMEM((_LP, _BW), jnp.int32),
        pltpu.VMEM((_NBUF, 128, 128), jnp.float32),
        pltpu.VMEM((_NBUF, _D, 128), jnp.float32),
        pltpu.SemaphoreType.DMA((_NBUF,)),
        pltpu.SemaphoreType.DMA((_NBUF,)),
    ],
    mesh=_mesh,
    compiler_params=pltpu.CompilerParams(
        use_tc_tiling_on_sc=True, needs_layout_passes=False),
)
def _emb_tiled(xt_hbm, tab_hbm, out_hbm, slab, gbuf, obuf, gsem, ssem):
    wid = lax.axis_index("s") * _NC + lax.axis_index("c")
    b0 = wid * _BW
    pltpu.sync_copy(xt_hbm.at[:, pl.ds(b0, _BW)], slab)
    iota16 = lax.iota(jnp.int32, 16)

    def lc(q):
        c = q // _L
        return q - _L * c, c

    def gather_desc(q, d):
        l, c = lc(q)
        return pltpu.make_async_copy(
            tab_hbm.at[slab.at[l, pl.ds(128 * c, 128)]],
            gbuf.at[d], gsem.at[d])

    def store_desc(q, d):
        l, c = lc(q)
        return pltpu.make_async_copy(
            obuf.at[d],
            out_hbm.at[l, :, pl.ds(b0 + 128 * c, 128)],
            ssem.at[d])

    def transpose_into_obuf(d):
        @plsc.parallel_loop(0, _D * 8, 1, unroll=16)
        def _(i):
            k = i // _D
            e = i - _D * k
            rows = iota16 + 16 * k
            cols = jnp.full((16,), e, jnp.int32)
            vals = plsc.load_gather(gbuf.at[d], [rows, cols])
            obuf[d, e, pl.ds(16 * k, 16)] = vals

    for q in range(_LA):
        gather_desc(q, q % _NBUF).start()

    def outer(q4, carry):
        for d in range(_NBUF):
            q = _NBUF * q4 + d

            @pl.when(q + _LA < _NGRP)
            def _():
                gather_desc(q + _LA, (d + _LA) % _NBUF).start()

            gather_desc(q, d).wait()

            @pl.when(q >= _NBUF)
            def _():
                store_desc(q, d).wait()

            transpose_into_obuf(d)
            store_desc(q, d).start()
        return carry

    lax.fori_loop(0, _NGRP // _NBUF, outer, 0)

    for q in range(_NGRP - _NBUF, _NGRP):
        store_desc(q, q % _NBUF).wait()


def kernel(x, table):
    xt = jnp.pad(x.astype(jnp.int32).T, ((0, _LP - _L), (0, 0)))
    tp = jnp.pad(table, ((0, 0), (0, 128 - _D)))
    out3 = _emb_tiled(xt, tp)
    return jnp.transpose(out3, (2, 0, 1))

# --- scband reference (transcript-rebuilt; emitter-appended) ---
"""Pipeline reference for scband-embedding-7000796693051 (READ-ONLY COPY).

The authoritative reference and input builder live on the scoring server;
editing this copy changes nothing except your own understanding.
"""

import jax, jax.numpy as jnp
import numpy as np

VOCAB = 1000000
EMBED_DIM = 64
BATCH = 16384
HIST_LEN = 50

def setup_inputs(seed: int = 0) -> dict:
    key = jax.random.key(seed)
    k1, k2 = jax.random.split(key)
    x = jax.random.randint(k1, (BATCH, HIST_LEN), 0, VOCAB)
    table = jax.random.normal(k2, (VOCAB, EMBED_DIM), dtype=jnp.float32) * 0.02
    return {"x": x, "table": table}

def reference(x, table):
    # ModuleList with a single nn.Embedding layer applied to indices x: (B, L) -> (B, L, D)
    out = jnp.take(table, x, axis=0)
    # nn.Dropout is identity at inference time
    return out

if __name__ == "__main__":
    import jax
    _d = setup_inputs()
    print(jax.jit(kernel)(*tuple(_d.values())))

</pallas_src>

<mosaic_0001>
#map = affine_map<(d0, d1) -> (0, 0)>
#map1 = affine_map<(d0, d1) -> (0, 0, 0)>
module attributes {stable_mosaic.version = 14 : i64} {
  func.func @_emb_tiled(%arg0: i32, %arg1: i32, %arg2: memref<56x16384xi32, #tpu.memory_space<hbm>>, %arg3: memref<1000000x128xf32, #tpu.memory_space<hbm>>, %arg4: memref<50x64x16384xf32, #tpu.memory_space<hbm>>, %arg5: memref<56x512xi32, #tpu.memory_space<vmem>>, %arg6: memref<4x128x128xf32, #tpu.memory_space<vmem>>, %arg7: memref<4x64x128xf32, #tpu.memory_space<vmem>>, %arg8: memref<4x!tpu.dma_semaphore, #tpu.memory_space<semaphore_mem>>, %arg9: memref<4x!tpu.dma_semaphore, #tpu.memory_space<semaphore_mem>>) attributes {dimension_semantics = [#tpu.dimension_semantics<core_parallel>, #tpu.dimension_semantics<subcore_parallel>], iteration_bounds = array<i64: 2, 16>, scalar_prefetch = 0 : i64, scratch_operands = 5 : i64, tpu.core_type = #tpu.core_type<sc_vector_subcore>, window_params = [{transform_indices = #map}, {transform_indices = #map}, {transform_indices = #map1}]} {
    %mul3A = arith.constant 2 : i32
    %mul3A_0 = arith.muli %arg1, %mul3A : i32
    %add3A = arith.addi %mul3A_0, %arg0 : i32
    %mul3A_1 = arith.constant 512 : i32
    %mul3A_2 = arith.muli %add3A, %mul3A_1 : i32
    "tpu.region"() ({
      %run_scoped3A = tpu.sem_alloc : memref<!tpu.dma_semaphore, #tpu.memory_space<semaphore_mem>>
      %dma_start3A_135 = arith.constant 0 : i32
      %dma_start3A_136 = tpu.memref_slice %arg2[%dma_start3A_135, %mul3A_2] : memref<56x16384xi32, #tpu.memory_space<hbm>> -> memref<56x512xi32, #tpu.memory_space<hbm>>
      %dma_start3A_137 = arith.constant 0 : i32
      %dma_start3A_138 = tpu.memref_slice %arg2[%dma_start3A_137, %mul3A_2] : memref<56x16384xi32, #tpu.memory_space<hbm>> -> memref<56x512xi32, #tpu.memory_space<hbm>>
      tpu.enqueue_dma source(%dma_start3A_138 : memref<56x512xi32, #tpu.memory_space<hbm>>) target(%arg5 : memref<56x512xi32, #tpu.memory_space<vmem>>) target_semaphore(%run_scoped3A : memref<!tpu.dma_semaphore, #tpu.memory_space<semaphore_mem>>)
      %dma_wait3A_139 = arith.constant 0 : i32
      %dma_wait3A_140 = tpu.memref_slice %arg2[%dma_wait3A_139, %mul3A_2] : memref<56x16384xi32, #tpu.memory_space<hbm>> -> memref<56x512xi32, #tpu.memory_space<hbm>>
      %dma_wait3A_141 = arith.constant 0 : i32
      %dma_wait3A_142 = tpu.memref_slice %arg2[%dma_wait3A_141, %mul3A_2] : memref<56x16384xi32, #tpu.memory_space<hbm>> -> memref<56x512xi32, #tpu.memory_space<hbm>>
      tpu.wait_dma2 semaphore(%run_scoped3A : memref<!tpu.dma_semaphore, #tpu.memory_space<semaphore_mem>>) src(%dma_wait3A_142 : memref<56x512xi32, #tpu.memory_space<hbm>>) dst(%arg5 : memref<56x512xi32, #tpu.memory_space<vmem>>)
      tpu.yield
    }) : () -> ()
    %iota3A = tpu.iota {dimensions = array<i32: 0>} : vector<16xi32>
    %dma_start3A = arith.constant 0 : i32
    %dma_start3A_3 = arith.constant 0 : i32
    %dma_start3A_4 = arith.constant 0 : i32
    %dma_start3A_5 = arith.constant 0 : i32
    %dma_start3A_6 = arith.constant 0 : i32
    %dma_start3A_7 = tpu.memref_slice %arg6[%dma_start3A_3, %dma_start3A_5, %dma_start3A_6] : memref<4x128x128xf32, #tpu.memory_space<vmem>> -> memref<1x128x128xf32, #tpu.memory_space<vmem>>
    %dma_start3A_8 = tpu.memref_squeeze %dma_start3A_7 : memref<1x128x128xf32, #tpu.memory_space<vmem>> -> memref<128x128xf32, #tpu.memory_space<vmem>>
    %dma_start3A_9 = arith.constant 0 : i32
    %dma_start3A_10 = tpu.memref_slice %arg5[%dma_start3A, %dma_start3A_9] : memref<56x512xi32, #tpu.memory_space<vmem>> -> memref<1x128xi32, #tpu.memory_space<vmem>>
    %dma_start3A_11 = tpu.memref_squeeze %dma_start3A_10 : memref<1x128xi32, #tpu.memory_space<vmem>> -> memref<128xi32, #tpu.memory_space<vmem>>
    %dma_start3A_12 = arith.constant 0 : i32
    %dma_start3A_13 = arith.constant 0 : i32
    %dma_start3A_14 = tpu.memref_slice %arg3[%dma_start3A_12, %dma_start3A_13] : memref<1000000x128xf32, #tpu.memory_space<hbm>> -> memref<1000000x128xf32, #tpu.memory_space<hbm>>
    %dma_start3A_15 = tpu.memref_slice %arg8[%dma_start3A_4] : memref<4x!tpu.dma_semaphore, #tpu.memory_space<semaphore_mem>> -> memref<1x!tpu.dma_semaphore, #tpu.memory_space<semaphore_mem>>
    %dma_start3A_16 = tpu.memref_squeeze %dma_start3A_15 : memref<1x!tpu.dma_semaphore, #tpu.memory_space<semaphore_mem>> -> memref<!tpu.dma_semaphore, #tpu.memory_space<semaphore_mem>>
    tpu.enqueue_indirect_dma source(%dma_start3A_14 : memref<1000000x128xf32, #tpu.memory_space<hbm>>) target(%dma_start3A_8 : memref<128x128xf32, #tpu.memory_space<vmem>>) offsets(%dma_start3A_11 : memref<128xi32, #tpu.memory_space<vmem>>) semaphore(%dma_start3A_16 : memref<!tpu.dma_semaphore, #tpu.memory_space<semaphore_mem>>)
    %dma_start3A_17 = arith.constant 1 : i32
    %dma_start3A_18 = arith.constant 1 : i32
    %dma_start3A_19 = arith.constant 1 : i32
    %dma_start3A_20 = arith.constant 0 : i32
    %dma_start3A_21 = arith.constant 0 : i32
    %dma_start3A_22 = tpu.memref_slice %arg6[%dma_start3A_18, %dma_start3A_20, %dma_start3A_21] : memref<4x128x128xf32, #tpu.memory_space<vmem>> -> memref<1x128x128xf32, #tpu.memory_space<vmem>>
    %dma_start3A_23 = tpu.memref_squeeze %dma_start3A_22 : memref<1x128x128xf32, #tpu.memory_space<vmem>> -> memref<128x128xf32, #tpu.memory_space<vmem>>
    %dma_start3A_24 = arith.constant 0 : i32
    %dma_start3A_25 = tpu.memref_slice %arg5[%dma_start3A_17, %dma_start3A_24] : memref<56x512xi32, #tpu.memory_space<vmem>> -> memref<1x128xi32, #tpu.memory_space<vmem>>
    %dma_start3A_26 = tpu.memref_squeeze %dma_start3A_25 : memref<1x128xi32, #tpu.memory_space<vmem>> -> memref<128xi32, #tpu.memory_space<vmem>>
    %dma_start3A_27 = arith.constant 0 : i32
    %dma_start3A_28 = arith.constant 0 : i32
    %dma_start3A_29 = tpu.memref_slice %arg3[%dma_start3A_27, %dma_start3A_28] : memref<1000000x128xf32, #tpu.memory_space<hbm>> -> memref<1000000x128xf32, #tpu.memory_space<hbm>>
    %dma_start3A_30 = tpu.memref_slice %arg8[%dma_start3A_19] : memref<4x!tpu.dma_semaphore, #tpu.memory_space<semaphore_mem>> -> memref<1x!tpu.dma_semaphore, #tpu.memory_space<semaphore_mem>>
    %dma_start3A_31 = tpu.memref_squeeze %dma_start3A_30 : memref<1x!tpu.dma_semaphore, #tpu.memory_space<semaphore_mem>> -> memref<!tpu.dma_semaphore, #tpu.memory_space<semaphore_mem>>
    tpu.enqueue_indirect_dma source(%dma_start3A_29 : memref<1000000x128xf32, #tpu.memory_space<hbm>>) target(%dma_start3A_23 : memref<128x128xf32, #tpu.memory_space<vmem>>) offsets(%dma_start3A_26 : memref<128xi32, #tpu.memory_space<vmem>>) semaphore(%dma_start3A_31 : memref<!tpu.dma_semaphore, #tpu.memory_space<semaphore_mem>>)
    %dma_start3A_32 = arith.constant 2 : i32
    %dma_start3A_33 = arith.constant 2 : i32
    %dma_start3A_34 = arith.constant 2 : i32
    %dma_start3A_35 = arith.constant 0 : i32
    %dma_start3A_36 = arith.constant 0 : i32
    %dma_start3A_37 = tpu.memref_slice %arg6[%dma_start3A_33, %dma_start3A_35, %dma_start3A_36] : memref<4x128x128xf32, #tpu.memory_space<vmem>> -> memref<1x128x128xf32, #tpu.memory_space<vmem>>
    %dma_start3A_38 = tpu.memref_squeeze %dma_start3A_37 : memref<1x128x128xf32, #tpu.memory_space<vmem>> -> memref<128x128xf32, #tpu.memory_space<vmem>>
    %dma_start3A_39 = arith.constant 0 : i32
    %dma_start3A_40 = tpu.memref_slice %arg5[%dma_start3A_32, %dma_start3A_39] : memref<56x512xi32, #tpu.memory_space<vmem>> -> memref<1x128xi32, #tpu.memory_space<vmem>>
    %dma_start3A_41 = tpu.memref_squeeze %dma_start3A_40 : memref<1x128xi32, #tpu.memory_space<vmem>> -> memref<128xi32, #tpu.memory_space<vmem>>
    %dma_start3A_42 = arith.constant 0 : i32
    %dma_start3A_43 = arith.constant 0 : i32
    %dma_start3A_44 = tpu.memref_slice %arg3[%dma_start3A_42, %dma_start3A_43] : memref<1000000x128xf32, #tpu.memory_space<hbm>> -> memref<1000000x128xf32, #tpu.memory_space<hbm>>
    %dma_start3A_45 = tpu.memref_slice %arg8[%dma_start3A_34] : memref<4x!tpu.dma_semaphore, #tpu.memory_space<semaphore_mem>> -> memref<1x!tpu.dma_semaphore, #tpu.memory_space<semaphore_mem>>
    %dma_start3A_46 = tpu.memref_squeeze %dma_start3A_45 : memref<1x!tpu.dma_semaphore, #tpu.memory_space<semaphore_mem>> -> memref<!tpu.dma_semaphore, #tpu.memory_space<semaphore_mem>>
    tpu.enqueue_indirect_dma source(%dma_start3A_44 : memref<1000000x128xf32, #tpu.memory_space<hbm>>) target(%dma_start3A_38 : memref<128x128xf32, #tpu.memory_space<vmem>>) offsets(%dma_start3A_41 : memref<128xi32, #tpu.memory_space<vmem>>) semaphore(%dma_start3A_46 : memref<!tpu.dma_semaphore, #tpu.memory_space<semaphore_mem>>)
    %scan3A = arith.constant 0 : i32
    %scan3A_47 = arith.constant 0 : i32
    %scan3A_48 = arith.constant 50 : i32
    %scan3A_49 = arith.addi %scan3A_47, %scan3A_48 : i32
    %scan3A_50 = arith.constant 1 : i32
    scf.for %scan3A_135 = %scan3A_47 to %scan3A_49 step %scan3A_50  : i32 {
      %mul3A_136 = arith.constant 4 : i32
      %mul3A_137 = arith.muli %mul3A_136, %scan3A_135 : i32
      %add3A_138 = arith.constant 0 : i32
      %add3A_139 = arith.addi %mul3A_137, %add3A_138 : i32
      %add3A_140 = arith.constant 3 : i32
      %add3A_141 = arith.addi %add3A_139, %add3A_140 : i32
      %lt3A = arith.constant 200 : i32
      %lt3A_142 = arith.cmpi slt, %add3A_141, %lt3A : i32
      %convert_element_type3A = arith.extui %lt3A_142 : i1 to i32
      %cond3A = arith.constant 0 : i32
      %cond3A_143 = arith.cmpi ne, %convert_element_type3A, %cond3A : i32
      scf.if %cond3A_143 {
        %add3A_559 = arith.constant 3 : i32
        %add3A_560 = arith.addi %add3A_139, %add3A_559 : i32
        %jit3A_561 = arith.constant 50 : i32
        %div3A_562 = arith.divsi %add3A_560, %jit3A_561 : i32
        %sign3A_563 = arith.constant 0 : i32
        %sign3A_564 = arith.cmpi sgt, %add3A_560, %sign3A_563 : i32
        %sign3A_565 = arith.extui %sign3A_564 : i1 to i32
        %sign3A_566 = arith.constant 0 : i32
        %sign3A_567 = arith.cmpi slt, %add3A_560, %sign3A_566 : i32
        %sign3A_568 = arith.extui %sign3A_567 : i1 to i32
        %sign3A_569 = arith.subi %sign3A_565, %sign3A_568 : i32
        %sign3A_570 = arith.constant 0 : i32
        %sign3A_571 = arith.cmpi sgt, %jit3A_561, %sign3A_570 : i32
        %sign3A_572 = arith.extui %sign3A_571 : i1 to i32
        %sign3A_573 = arith.constant 0 : i32
        %sign3A_574 = arith.cmpi slt, %jit3A_561, %sign3A_573 : i32
        %sign3A_575 = arith.extui %sign3A_574 : i1 to i32
        %sign3A_576 = arith.subi %sign3A_572, %sign3A_575 : i32
        %ne3A_577 = arith.cmpi ne, %sign3A_569, %sign3A_576 : i32
        %rem3A_578 = arith.remsi %add3A_560, %jit3A_561 : i32
        %ne3A_579 = arith.constant 0 : i32
        %ne3A_580 = arith.cmpi ne, %rem3A_578, %ne3A_579 : i32
        %and3A_581 = arith.andi %ne3A_577, %ne3A_580 : i1
        %sub3A_582 = arith.constant 1 : i32
        %sub3A_583 = arith.subi %div3A_562, %sub3A_582 : i32
        %select_n3A_584 = arith.select %and3A_581, %sub3A_583, %div3A_562 : i32
        %mul3A_585 = arith.constant 50 : i32
        %mul3A_586 = arith.muli %mul3A_585, %select_n3A_584 : i32
        %sub3A_587 = arith.subi %add3A_560, %mul3A_586 : i32
        %mul3A_588 = arith.constant 128 : i32
        %mul3A_589 = arith.muli %mul3A_588, %select_n3A_584 : i32
        %dma_start3A_590 = arith.constant 3 : i32
        %dma_start3A_591 = arith.constant 3 : i32
        %dma_start3A_592 = arith.constant 0 : i32
        %dma_start3A_593 = arith.constant 0 : i32
        %dma_start3A_594 = tpu.memref_slice %arg6[%dma_start3A_590, %dma_start3A_592, %dma_start3A_593] : memref<4x128x128xf32, #tpu.memory_space<vmem>> -> memref<1x128x128xf32, #tpu.memory_space<vmem>>
        %dma_start3A_595 = tpu.memref_squeeze %dma_start3A_594 : memref<1x128x128xf32, #tpu.memory_space<vmem>> -> memref<128x128xf32, #tpu.memory_space<vmem>>
        %dma_start3A_596 = tpu.memref_slice %arg5[%sub3A_587, %mul3A_589] : memref<56x512xi32, #tpu.memory_space<vmem>> -> memref<1x128xi32, #tpu.memory_space<vmem>>
        %dma_start3A_597 = tpu.memref_squeeze %dma_start3A_596 : memref<1x128xi32, #tpu.memory_space<vmem>> -> memref<128xi32, #tpu.memory_space<vmem>>
        %dma_start3A_598 = arith.constant 0 : i32
        %dma_start3A_599 = arith.constant 0 : i32
        %dma_start3A_600 = tpu.memref_slice %arg3[%dma_start3A_598, %dma_start3A_599] : memref<1000000x128xf32, #tpu.memory_space<hbm>> -> memref<1000000x128xf32, #tpu.memory_space<hbm>>
        %dma_start3A_601 = tpu.memref_slice %arg8[%dma_start3A_591] : memref<4x!tpu.dma_semaphore, #tpu.memory_space<semaphore_mem>> -> memref<1x!tpu.dma_semaphore, #tpu.memory_space<semaphore_mem>>
        %dma_start3A_602 = tpu.memref_squeeze %dma_start3A_601 : memref<1x!tpu.dma_semaphore, #tpu.memory_space<semaphore_mem>> -> memref<!tpu.dma_semaphore, #tpu.memory_space<semaphore_mem>>
        tpu.enqueue_indirect_dma source(%dma_start3A_600 : memref<1000000x128xf32, #tpu.memory_space<hbm>>) target(%dma_start3A_595 : memref<128x128xf32, #tpu.memory_space<vmem>>) offsets(%dma_start3A_597 : memref<128xi32, #tpu.memory_space<vmem>>) semaphore(%dma_start3A_602 : memref<!tpu.dma_semaphore, #tpu.memory_space<semaphore_mem>>)
      } else {
      }
      %jit3A = arith.constant 50 : i32
      %div3A = arith.divsi %add3A_139, %jit3A : i32
      %sign3A = arith.constant 0 : i32
      %sign3A_144 = arith.cmpi sgt, %add3A_139, %sign3A : i32
      %sign3A_145 = arith.extui %sign3A_144 : i1 to i32
      %sign3A_146 = arith.constant 0 : i32
      %sign3A_147 = arith.cmpi slt, %add3A_139, %sign3A_146 : i32
      %sign3A_148 = arith.extui %sign3A_147 : i1 to i32
      %sign3A_149 = arith.subi %sign3A_145, %sign3A_148 : i32
      %sign3A_150 = arith.constant 0 : i32
      %sign3A_151 = arith.cmpi sgt, %jit3A, %sign3A_150 : i32
      %sign3A_152 = arith.extui %sign3A_151 : i1 to i32
      %sign3A_153 = arith.constant 0 : i32
      %sign3A_154 = arith.cmpi slt, %jit3A, %sign3A_153 : i32
      %sign3A_155 = arith.extui %sign3A_154 : i1 to i32
      %sign3A_156 = arith.subi %sign3A_152, %sign3A_155 : i32
      %ne3A = arith.cmpi ne, %sign3A_149, %sign3A_156 : i32
      %rem3A = arith.remsi %add3A_139, %jit3A : i32
      %ne3A_157 = arith.constant 0 : i32
      %ne3A_158 = arith.cmpi ne, %rem3A, %ne3A_157 : i32
      %and3A = arith.andi %ne3A, %ne3A_158 : i1
      %sub3A = arith.constant 1 : i32
      %sub3A_159 = arith.subi %div3A, %sub3A : i32
      %select_n3A = arith.select %and3A, %sub3A_159, %div3A : i32
      %mul3A_160 = arith.constant 50 : i32
      %mul3A_161 = arith.muli %mul3A_160, %select_n3A : i32
      %sub3A_162 = arith.subi %add3A_139, %mul3A_161 : i32
      %mul3A_163 = arith.constant 128 : i32
      %mul3A_164 = arith.muli %mul3A_163, %select_n3A : i32
      %dma_wait3A_165 = arith.constant 0 : i32
      %dma_wait3A_166 = arith.constant 0 : i32
      %dma_wait3A_167 = arith.constant 0 : i32
      %dma_wait3A_168 = arith.constant 0 : i32
      %dma_wait3A_169 = tpu.memref_slice %arg6[%dma_wait3A_165, %dma_wait3A_167, %dma_wait3A_168] : memref<4x128x128xf32, #tpu.memory_space<vmem>> -> memref<1x128x128xf32, #tpu.memory_space<vmem>>
      %dma_wait3A_170 = tpu.memref_squeeze %dma_wait3A_169 : memref<1x128x128xf32, #tpu.memory_space<vmem>> -> memref<128x128xf32, #tpu.memory_space<vmem>>
      %dma_wait3A_171 = tpu.memref_slice %arg5[%sub3A_162, %mul3A_164] : memref<56x512xi32, #tpu.memory_space<vmem>> -> memref<1x128xi32, #tpu.memory_space<vmem>>
      %dma_wait3A_172 = tpu.memref_squeeze %dma_wait3A_171 : memref<1x128xi32, #tpu.memory_space<vmem>> -> memref<128xi32, #tpu.memory_space<vmem>>
      %dma_wait3A_173 = arith.constant 0 : i32
      %dma_wait3A_174 = arith.constant 0 : i32
      %dma_wait3A_175 = tpu.memref_slice %arg3[%dma_wait3A_173, %dma_wait3A_174] : memref<1000000x128xf32, #tpu.memory_space<hbm>> -> memref<1000000x128xf32, #tpu.memory_space<hbm>>
      %dma_wait3A_176 = tpu.memref_slice %arg8[%dma_wait3A_166] : memref<4x!tpu.dma_semaphore, #tpu.memory_space<semaphore_mem>> -> memref<1x!tpu.dma_semaphore, #tpu.memory_space<semaphore_mem>>
      %dma_wait3A_177 = tpu.memref_squeeze %dma_wait3A_176 : memref<1x!tpu.dma_semaphore, #tpu.memory_space<semaphore_mem>> -> memref<!tpu.dma_semaphore, #tpu.memory_space<semaphore_mem>>
      tpu.wait_indirect_dma semaphore(%dma_wait3A_177 : memref<!tpu.dma_semaphore, #tpu.memory_space<semaphore_mem>>) src(%dma_wait3A_175 : memref<1000000x128xf32, #tpu.memory_space<hbm>>) dst(%dma_wait3A_170 : memref<128x128xf32, #tpu.memory_space<vmem>>)
      %ge3A = arith.constant 4 : i32
      %ge3A_178 = arith.cmpi sge, %add3A_139, %ge3A : i32
      %convert_element_type3A_179 = arith.extui %ge3A_178 : i1 to i32
      %cond3A_180 = arith.constant 0 : i32
      %cond3A_181 = arith.cmpi ne, %convert_element_type3A_179, %cond3A_180 : i32
      scf.if %cond3A_181 {
        %jit3A_559 = arith.constant 50 : i32
        %div3A_560 = arith.divsi %add3A_139, %jit3A_559 : i32
        %sign3A_561 = arith.constant 0 : i32
        %sign3A_562 = arith.cmpi sgt, %add3A_139, %sign3A_561 : i32
        %sign3A_563 = arith.extui %sign3A_562 : i1 to i32
        %sign3A_564 = arith.constant 0 : i32
        %sign3A_565 = arith.cmpi slt, %add3A_139, %sign3A_564 : i32
        %sign3A_566 = arith.extui %sign3A_565 : i1 to i32
        %sign3A_567 = arith.subi %sign3A_563, %sign3A_566 : i32
        %sign3A_568 = arith.constant 0 : i32
        %sign3A_569 = arith.cmpi sgt, %jit3A_559, %sign3A_568 : i32
        %sign3A_570 = arith.extui %sign3A_569 : i1 to i32
        %sign3A_571 = arith.constant 0 : i32
        %sign3A_572 = arith.cmpi slt, %jit3A_559, %sign3A_571 : i32
        %sign3A_573 = arith.extui %sign3A_572 : i1 to i32
        %sign3A_574 = arith.subi %sign3A_570, %sign3A_573 : i32
        %ne3A_575 = arith.cmpi ne, %sign3A_567, %sign3A_574 : i32
        %rem3A_576 = arith.remsi %add3A_139, %jit3A_559 : i32
        %ne3A_577 = arith.constant 0 : i32
        %ne3A_578 = arith.cmpi ne, %rem3A_576, %ne3A_577 : i32
        %and3A_579 = arith.andi %ne3A_575, %ne3A_578 : i1
        %sub3A_580 = arith.constant 1 : i32
        %sub3A_581 = arith.subi %div3A_560, %sub3A_580 : i32
        %select_n3A_582 = arith.select %and3A_579, %sub3A_581, %div3A_560 : i32
        %mul3A_583 = arith.constant 50 : i32
        %mul3A_584 = arith.muli %mul3A_583, %select_n3A_582 : i32
        %sub3A_585 = arith.subi %add3A_139, %mul3A_584 : i32
        %mul3A_586 = arith.constant 128 : i32
        %mul3A_587 = arith.muli %mul3A_586, %select_n3A_582 : i32
        %add3A_588 = arith.addi %mul3A_2, %mul3A_587 : i32
        %dma_wait3A_589 = arith.constant 0 : i32
        %dma_wait3A_590 = arith.constant 0 : i32
        %dma_wait3A_591 = arith.constant 0 : i32
        %dma_wait3A_592 = arith.constant 0 : i32
        %dma_wait3A_593 = tpu.memref_slice %arg7[%dma_wait3A_589, %dma_wait3A_591, %dma_wait3A_592] : memref<4x64x128xf32, #tpu.memory_space<vmem>> -> memref<1x64x128xf32, #tpu.memory_space<vmem>>
        %dma_wait3A_594 = tpu.memref_squeeze %dma_wait3A_593 : memref<1x64x128xf32, #tpu.memory_space<vmem>> -> memref<64x128xf32, #tpu.memory_space<vmem>>
        %dma_wait3A_595 = arith.constant 0 : i32
        %dma_wait3A_596 = tpu.memref_slice %arg4[%sub3A_585, %dma_wait3A_595, %add3A_588] : memref<50x64x16384xf32, #tpu.memory_space<hbm>> -> memref<1x64x128xf32, #tpu.memory_space<hbm>>
        %dma_wait3A_597 = tpu.memref_squeeze %dma_wait3A_596 : memref<1x64x128xf32, #tpu.memory_space<hbm>> -> memref<64x128xf32, #tpu.memory_space<hbm>>
        %dma_wait3A_598 = tpu.memref_slice %arg9[%dma_wait3A_590] : memref<4x!tpu.dma_semaphore, #tpu.memory_space<semaphore_mem>> -> memref<1x!tpu.dma_semaphore, #tpu.memory_space<semaphore_mem>>
        %dma_wait3A_599 = tpu.memref_squeeze %dma_wait3A_598 : memref<1x!tpu.dma_semaphore, #tpu.memory_space<semaphore_mem>> -> memref<!tpu.dma_semaphore, #tpu.memory_space<semaphore_mem>>
        %dma_wait3A_600 = arith.constant 0 : i32
        %dma_wait3A_601 = tpu.memref_slice %arg4[%sub3A_585, %dma_wait3A_600, %add3A_588] : memref<50x64x16384xf32, #tpu.memory_space<hbm>> -> memref<1x64x128xf32, #tpu.memory_space<hbm>>
        %dma_wait3A_602 = tpu.memref_squeeze %dma_wait3A_601 : memref<1x64x128xf32, #tpu.memory_space<hbm>> -> memref<64x128xf32, #tpu.memory_space<hbm>>
        %dma_wait3A_603 = arith.constant 0 : i32
        %dma_wait3A_604 = arith.constant 0 : i32
        %dma_wait3A_605 = tpu.memref_slice %arg7[%dma_wait3A_589, %dma_wait3A_603, %dma_wait3A_604] : memref<4x64x128xf32, #tpu.memory_space<vmem>> -> memref<1x64x128xf32, #tpu.memory_space<vmem>>
        %dma_wait3A_606 = tpu.memref_squeeze %dma_wait3A_605 : memref<1x64x128xf32, #tpu.memory_space<vmem>> -> memref<64x128xf32, #tpu.memory_space<vmem>>
        tpu.wait_dma2 semaphore(%dma_wait3A_599 : memref<!tpu.dma_semaphore, #tpu.memory_space<semaphore_mem>>) src(%dma_wait3A_606 : memref<64x128xf32, #tpu.memory_space<vmem>>) dst(%dma_wait3A_602 : memref<64x128xf32, #tpu.memory_space<hbm>>)
      } else {
      }
      %parallel_loop3A = arith.constant 0 : i32
      %parallel_loop3A_182 = arith.constant 512 : i32
      %parallel_loop3A_183 = arith.constant 1 : i32
      scf.for %parallel_loop3A_559 = %parallel_loop3A to %parallel_loop3A_182 step %parallel_loop3A_183  : i32 {
        %parallel_loop3A_560 = arith.constant 64 : i32
        %parallel_loop3A_561 = arith.divsi %parallel_loop3A_559, %parallel_loop3A_560 : i32
        %parallel_loop3A_562 = arith.constant 0 : i32
        %parallel_loop3A_563 = arith.cmpi sgt, %parallel_loop3A_559, %parallel_loop3A_562 : i32
        %parallel_loop3A_564 = arith.extui %parallel_loop3A_563 : i1 to i32
        %parallel_loop3A_565 = arith.constant 0 : i32
        %parallel_loop3A_566 = arith.cmpi slt, %parallel_loop3A_559, %parallel_loop3A_565 : i32
        %parallel_loop3A_567 = arith.extui %parallel_loop3A_566 : i1 to i32
        %parallel_loop3A_568 = arith.subi %parallel_loop3A_564, %parallel_loop3A_567 : i32
        %parallel_loop3A_569 = arith.constant 0 : i32
        %parallel_loop3A_570 = arith.cmpi sgt, %parallel_loop3A_560, %parallel_loop3A_569 : i32
        %parallel_loop3A_571 = arith.extui %parallel_loop3A_570 : i1 to i32
        %parallel_loop3A_572 = arith.constant 0 : i32
        %parallel_loop3A_573 = arith.cmpi slt, %parallel_loop3A_560, %parallel_loop3A_572 : i32
        %parallel_loop3A_574 = arith.extui %parallel_loop3A_573 : i1 to i32
        %parallel_loop3A_575 = arith.subi %parallel_loop3A_571, %parallel_loop3A_574 : i32
        %parallel_loop3A_576 = arith.cmpi ne, %parallel_loop3A_568, %parallel_loop3A_575 : i32
        %parallel_loop3A_577 = arith.remsi %parallel_loop3A_559, %parallel_loop3A_560 : i32
        %parallel_loop3A_578 = arith.constant 0 : i32
        %parallel_loop3A_579 = arith.cmpi ne, %parallel_loop3A_577, %parallel_loop3A_578 : i32
        %parallel_loop3A_580 = arith.andi %parallel_loop3A_576, %parallel_loop3A_579 : i1
        %parallel_loop3A_581 = arith.constant 1 : i32
        %parallel_loop3A_582 = arith.subi %parallel_loop3A_561, %parallel_loop3A_581 : i32
        %parallel_loop3A_583 = arith.select %parallel_loop3A_580, %parallel_loop3A_582, %parallel_loop3A_561 : i32
        %parallel_loop3A_584 = arith.constant 64 : i32
        %parallel_loop3A_585 = arith.muli %parallel_loop3A_584, %parallel_loop3A_583 : i32
        %parallel_loop3A_586 = arith.subi %parallel_loop3A_559, %parallel_loop3A_585 : i32
        %parallel_loop3A_587 = arith.constant 16 : i32
        %parallel_loop3A_588 = arith.muli %parallel_loop3A_587, %parallel_loop3A_583 : i32
        %parallel_loop3A_589 = vector.broadcast %parallel_loop3A_588 : i32 to vector<16xi32>
        %parallel_loop3A_590 = arith.addi %iota3A, %parallel_loop3A_589 : vector<16xi32>
        %parallel_loop3A_591 = vector.broadcast %parallel_loop3A_586 : i32 to vector<16xi32>
        %parallel_loop3A_592 = arith.constant 0 : i32
        %parallel_loop3A_593 = arith.constant 0 : i32
        %parallel_loop3A_594 = arith.constant 0 : i32
        %parallel_loop3A_595 = tpu.memref_slice %arg6[%parallel_loop3A_592, %parallel_loop3A_593, %parallel_loop3A_594] : memref<4x128x128xf32, #tpu.memory_space<vmem>> -> memref<1x128x128xf32, #tpu.memory_space<vmem>>
        %parallel_loop3A_596 = tpu.memref_squeeze %parallel_loop3A_595 : memref<1x128x128xf32, #tpu.memory_space<vmem>> -> memref<128x128xf32, #tpu.memory_space<vmem>>
        %parallel_loop3A_597 = tpu.vector_load_idx %parallel_loop3A_596[%parallel_loop3A_590, %parallel_loop3A_591] : memref<128x128xf32, #tpu.memory_space<vmem>>[vector<16xi32>, vector<16xi32>], vector<16xf32>,
        %parallel_loop3A_598 = arith.constant 16 : i32
        %parallel_loop3A_599 = arith.muli %parallel_loop3A_598, %parallel_loop3A_583 : i32
        %parallel_loop3A_600 = arith.constant 0 : i32
        %parallel_loop3A_601 = arith.index_cast %parallel_loop3A_600 : i32 to index
        %parallel_loop3A_602 = arith.index_cast %parallel_loop3A_586 : i32 to index
        %parallel_loop3A_603 = arith.index_cast %parallel_loop3A_599 : i32 to index
        %parallel_loop3A_604 = tpu.vector_load %arg7[%parallel_loop3A_601, %parallel_loop3A_602, %parallel_loop3A_603] {strides = array<i32>} : memref<4x64x128xf32, #tpu.memory_space<vmem>>, vector<16xf32>,
        tpu.vector_store %arg7[%parallel_loop3A_601, %parallel_loop3A_602, %parallel_loop3A_603], %parallel_loop3A_597 {strides = array<i32>} : memref<4x64x128xf32, #tpu.memory_space<vmem>>, vector<16xf32>,
      } {sc.loop_unroll_factor = 16 : i64, sc.parallel_access}
      %jit3A_184 = arith.constant 50 : i32
      %div3A_185 = arith.divsi %add3A_139, %jit3A_184 : i32
      %sign3A_186 = arith.constant 0 : i32
      %sign3A_187 = arith.cmpi sgt, %add3A_139, %sign3A_186 : i32
      %sign3A_188 = arith.extui %sign3A_187 : i1 to i32
      %sign3A_189 = arith.constant 0 : i32
      %sign3A_190 = arith.cmpi slt, %add3A_139, %sign3A_189 : i32
      %sign3A_191 = arith.extui %sign3A_190 : i1 to i32
      %sign3A_192 = arith.subi %sign3A_188, %sign3A_191 : i32
      %sign3A_193 = arith.constant 0 : i32
      %sign3A_194 = arith.cmpi sgt, %jit3A_184, %sign3A_193 : i32
      %sign3A_195 = arith.extui %sign3A_194 : i1 to i32
      %sign3A_196 = arith.constant 0 : i32
      %sign3A_197 = arith.cmpi slt, %jit3A_184, %sign3A_196 : i32
      %sign3A_198 = arith.extui %sign3A_197 : i1 to i32
      %sign3A_199 = arith.subi %sign3A_195, %sign3A_198 : i32
      %ne3A_200 = arith.cmpi ne, %sign3A_192, %sign3A_199 : i32
      %rem3A_201 = arith.remsi %add3A_139, %jit3A_184 : i32
      %ne3A_202 = arith.constant 0 : i32
      %ne3A_203 = arith.cmpi ne, %rem3A_201, %ne3A_202 : i32
      %and3A_204 = arith.andi %ne3A_200, %ne3A_203 : i1
      %sub3A_205 = arith.constant 1 : i32
      %sub3A_206 = arith.subi %div3A_185, %sub3A_205 : i32
      %select_n3A_207 = arith.select %and3A_204, %sub3A_206, %div3A_185 : i32
      %mul3A_208 = arith.constant 50 : i32
      %mul3A_209 = arith.muli %mul3A_208, %select_n3A_207 : i32
      %sub3A_210 = arith.subi %add3A_139, %mul3A_209 : i32
      %mul3A_211 = arith.constant 128 : i32
      %mul3A_212 = arith.muli %mul3A_211, %select_n3A_207 : i32
      %add3A_213 = arith.addi %mul3A_2, %mul3A_212 : i32
      %dma_start3A_214 = arith.constant 0 : i32
      %dma_start3A_215 = arith.constant 0 : i32
      %dma_start3A_216 = arith.constant 0 : i32
      %dma_start3A_217 = arith.constant 0 : i32
      %dma_start3A_218 = tpu.memref_slice %arg7[%dma_start3A_214, %dma_start3A_216, %dma_start3A_217] : memref<4x64x128xf32, #tpu.memory_space<vmem>> -> memref<1x64x128xf32, #tpu.memory_space<vmem>>
      %dma_start3A_219 = tpu.memref_squeeze %dma_start3A_218 : memref<1x64x128xf32, #tpu.memory_space<vmem>> -> memref<64x128xf32, #tpu.memory_space<vmem>>
      %dma_start3A_220 = arith.constant 0 : i32
      %dma_start3A_221 = tpu.memref_slice %arg4[%sub3A_210, %dma_start3A_220, %add3A_213] : memref<50x64x16384xf32, #tpu.memory_space<hbm>> -> memref<1x64x128xf32, #tpu.memory_space<hbm>>
      %dma_start3A_222 = tpu.memref_squeeze %dma_start3A_221 : memref<1x64x128xf32, #tpu.memory_space<hbm>> -> memref<64x128xf32, #tpu.memory_space<hbm>>
      %dma_start3A_223 = tpu.memref_slice %arg9[%dma_start3A_215] : memref<4x!tpu.dma_semaphore, #tpu.memory_space<semaphore_mem>> -> memref<1x!tpu.dma_semaphore, #tpu.memory_space<semaphore_mem>>
      %dma_start3A_224 = tpu.memref_squeeze %dma_start3A_223 : memref<1x!tpu.dma_semaphore, #tpu.memory_space<semaphore_mem>> -> memref<!tpu.dma_semaphore, #tpu.memory_space<semaphore_mem>>
      %dma_start3A_225 = arith.constant 0 : i32
      %dma_start3A_226 = tpu.memref_slice %arg4[%sub3A_210, %dma_start3A_225, %add3A_213] : memref<50x64x16384xf32, #tpu.memory_space<hbm>> -> memref<1x64x128xf32, #tpu.memory_space<hbm>>
      %dma_start3A_227 = tpu.memref_squeeze %dma_start3A_226 : memref<1x64x128xf32, #tpu.memory_space<hbm>> -> memref<64x128xf32, #tpu.memory_space<hbm>>
      %dma_start3A_228 = arith.constant 0 : i32
      %dma_start3A_229 = arith.constant 0 : i32
      %dma_start3A_230 = tpu.memref_slice %arg7[%dma_start3A_214, %dma_start3A_228, %dma_start3A_229] : memref<4x64x128xf32, #tpu.memory_space<vmem>> -> memref<1x64x128xf32, #tpu.memory_space<vmem>>
      %dma_start3A_231 = tpu.memref_squeeze %dma_start3A_230 : memref<1x64x128xf32, #tpu.memory_space<vmem>> -> memref<64x128xf32, #tpu.memory_space<vmem>>
      tpu.enqueue_dma source(%dma_start3A_231 : memref<64x128xf32, #tpu.memory_space<vmem>>) target(%dma_start3A_227 : memref<64x128xf32, #tpu.memory_space<hbm>>) target_semaphore(%dma_start3A_224 : memref<!tpu.dma_semaphore, #tpu.memory_space<semaphore_mem>>)
      %mul3A_232 = arith.constant 4 : i32
      %mul3A_233 = arith.muli %mul3A_232, %scan3A_135 : i32
      %add3A_234 = arith.constant 1 : i32
      %add3A_235 = arith.addi %mul3A_233, %add3A_234 : i32
      %add3A_236 = arith.constant 3 : i32
      %add3A_237 = arith.addi %add3A_235, %add3A_236 : i32
      %lt3A_238 = arith.constant 200 : i32
      %lt3A_239 = arith.cmpi slt, %add3A_237, %lt3A_238 : i32
      %convert_element_type3A_240 = arith.extui %lt3A_239 : i1 to i32
      %cond3A_241 = arith.constant 0 : i32
      %cond3A_242 = arith.cmpi ne, %convert_element_type3A_240, %cond3A_241 : i32
      scf.if %cond3A_242 {
        %add3A_559 = arith.constant 3 : i32
        %add3A_560 = arith.addi %add3A_235, %add3A_559 : i32
        %jit3A_561 = arith.constant 50 : i32
        %div3A_562 = arith.divsi %add3A_560, %jit3A_561 : i32
        %sign3A_563 = arith.constant 0 : i32
        %sign3A_564 = arith.cmpi sgt, %add3A_560, %sign3A_563 : i32
        %sign3A_565 = arith.extui %sign3A_564 : i1 to i32
        %sign3A_566 = arith.constant 0 : i32
        %sign3A_567 = arith.cmpi slt, %add3A_560, %sign3A_566 : i32
        %sign3A_568 = arith.extui %sign3A_567 : i1 to i32
        %sign3A_569 = arith.subi %sign3A_565, %sign3A_568 : i32
        %sign3A_570 = arith.constant 0 : i32
        %sign3A_571 = arith.cmpi sgt, %jit3A_561, %sign3A_570 : i32
        %sign3A_572 = arith.extui %sign3A_571 : i1 to i32
        %sign3A_573 = arith.constant 0 : i32
        %sign3A_574 = arith.cmpi slt, %jit3A_561, %sign3A_573 : i32
        %sign3A_575 = arith.extui %sign3A_574 : i1 to i32
        %sign3A_576 = arith.subi %sign3A_572, %sign3A_575 : i32
        %ne3A_577 = arith.cmpi ne, %sign3A_569, %sign3A_576 : i32
        %rem3A_578 = arith.remsi %add3A_560, %jit3A_561 : i32
        %ne3A_579 = arith.constant 0 : i32
        %ne3A_580 = arith.cmpi ne, %rem3A_578, %ne3A_579 : i32
        %and3A_581 = arith.andi %ne3A_577, %ne3A_580 : i1
        %sub3A_582 = arith.constant 1 : i32
        %sub3A_583 = arith.subi %div3A_562, %sub3A_582 : i32
        %select_n3A_584 = arith.select %and3A_581, %sub3A_583, %div3A_562 : i32
        %mul3A_585 = arith.constant 50 : i32
        %mul3A_586 = arith.muli %mul3A_585, %select_n3A_584 : i32
        %sub3A_587 = arith.subi %add3A_560, %mul3A_586 : i32
        %mul3A_588 = arith.constant 128 : i32
        %mul3A_589 = arith.muli %mul3A_588, %select_n3A_584 : i32
        %dma_start3A_590 = arith.constant 0 : i32
        %dma_start3A_591 = arith.constant 0 : i32
        %dma_start3A_592 = arith.constant 0 : i32
        %dma_start3A_593 = arith.constant 0 : i32
        %dma_start3A_594 = tpu.memref_slice %arg6[%dma_start3A_590, %dma_start3A_592, %dma_start3A_593] : memref<4x128x128xf32, #tpu.memory_space<vmem>> -> memref<1x128x128xf32, #tpu.memory_space<vmem>>
        %dma_start3A_595 = tpu.memref_squeeze %dma_start3A_594 : memref<1x128x128xf32, #tpu.memory_space<vmem>> -> memref<128x128xf32, #tpu.memory_space<vmem>>
        %dma_start3A_596 = tpu.memref_slice %arg5[%sub3A_587, %mul3A_589] : memref<56x512xi32, #tpu.memory_space<vmem>> -> memref<1x128xi32, #tpu.memory_space<vmem>>
        %dma_start3A_597 = tpu.memref_squeeze %dma_start3A_596 : memref<1x128xi32, #tpu.memory_space<vmem>> -> memref<128xi32, #tpu.memory_space<vmem>>
        %dma_start3A_598 = arith.constant 0 : i32
        %dma_start3A_599 = arith.constant 0 : i32
        %dma_start3A_600 = tpu.memref_slice %arg3[%dma_start3A_598, %dma_start3A_599] : memref<1000000x128xf32, #tpu.memory_space<hbm>> -> memref<1000000x128xf32, #tpu.memory_space<hbm>>
        %dma_start3A_601 = tpu.memref_slice %arg8[%dma_start3A_591] : memref<4x!tpu.dma_semaphore, #tpu.memory_space<semaphore_mem>> -> memref<1x!tpu.dma_semaphore, #tpu.memory_space<semaphore_mem>>
        %dma_start3A_602 = tpu.memref_squeeze %dma_start3A_601 : memref<1x!tpu.dma_semaphore, #tpu.memory_space<semaphore_mem>> -> memref<!tpu.dma_semaphore, #tpu.memory_space<semaphore_mem>>
        tpu.enqueue_indirect_dma source(%dma_start3A_600 : memref<1000000x128xf32, #tpu.memory_space<hbm>>) target(%dma_start3A_595 : memref<128x128xf32, #tpu.memory_space<vmem>>) offsets(%dma_start3A_597 : memref<128xi32, #tpu.memory_space<vmem>>) semaphore(%dma_start3A_602 : memref<!tpu.dma_semaphore, #tpu.memory_space<semaphore_mem>>)
      } else {
      }
      %jit3A_243 = arith.constant 50 : i32
      %div3A_244 = arith.divsi %add3A_235, %jit3A_243 : i32
      %sign3A_245 = arith.constant 0 : i32
      %sign3A_246 = arith.cmpi sgt, %add3A_235, %sign3A_245 : i32
      %sign3A_247 = arith.extui %sign3A_246 : i1 to i32
      %sign3A_248 = arith.constant 0 : i32
      %sign3A_249 = arith.cmpi slt, %add3A_235, %sign3A_248 : i32
      %sign3A_250 = arith.extui %sign3A_249 : i1 to i32
      %sign3A_251 = arith.subi %sign3A_247, %sign3A_250 : i32
      %sign3A_252 = arith.constant 0 : i32
      %sign3A_253 = arith.cmpi sgt, %jit3A_243, %sign3A_252 : i32
      %sign3A_254 = arith.extui %sign3A_253 : i1 to i32
      %sign3A_255 = arith.constant 0 : i32
      %sign3A_256 = arith.cmpi slt, %jit3A_243, %sign3A_255 : i32
      %sign3A_257 = arith.extui %sign3A_256 : i1 to i32
      %sign3A_258 = arith.subi %sign3A_254, %sign3A_257 : i32
      %ne3A_259 = arith.cmpi ne, %sign3A_251, %sign3A_258 : i32
      %rem3A_260 = arith.remsi %add3A_235, %jit3A_243 : i32
      %ne3A_261 = arith.constant 0 : i32
      %ne3A_262 = arith.cmpi ne, %rem3A_260, %ne3A_261 : i32
      %and3A_263 = arith.andi %ne3A_259, %ne3A_262 : i1
      %sub3A_264 = arith.constant 1 : i32
      %sub3A_265 = arith.subi %div3A_244, %sub3A_264 : i32
      %select_n3A_266 = arith.select %and3A_263, %sub3A_265, %div3A_244 : i32
      %mul3A_267 = arith.constant 50 : i32
      %mul3A_268 = arith.muli %mul3A_267, %select_n3A_266 : i32
      %sub3A_269 = arith.subi %add3A_235, %mul3A_268 : i32
      %mul3A_270 = arith.constant 128 : i32
      %mul3A_271 = arith.muli %mul3A_270, %select_n3A_266 : i32
      %dma_wait3A_272 = arith.constant 1 : i32
      %dma_wait3A_273 = arith.constant 1 : i32
      %dma_wait3A_274 = arith.constant 0 : i32
      %dma_wait3A_275 = arith.constant 0 : i32
      %dma_wait3A_276 = tpu.memref_slice %arg6[%dma_wait3A_272, %dma_wait3A_274, %dma_wait3A_275] : memref<4x128x128xf32, #tpu.memory_space<vmem>> -> memref<1x128x128xf32, #tpu.memory_space<vmem>>
      %dma_wait3A_277 = tpu.memref_squeeze %dma_wait3A_276 : memref<1x128x128xf32, #tpu.memory_space<vmem>> -> memref<128x128xf32, #tpu.memory_space<vmem>>
      %dma_wait3A_278 = tpu.memref_slice %arg5[%sub3A_269, %mul3A_271] : memref<56x512xi32, #tpu.memory_space<vmem>> -> memref<1x128xi32, #tpu.memory_space<vmem>>
      %dma_wait3A_279 = tpu.memref_squeeze %dma_wait3A_278 : memref<1x128xi32, #tpu.memory_space<vmem>> -> memref<128xi32, #tpu.memory_space<vmem>>
      %dma_wait3A_280 = arith.constant 0 : i32
      %dma_wait3A_281 = arith.constant 0 : i32
      %dma_wait3A_282 = tpu.memref_slice %arg3[%dma_wait3A_280, %dma_wait3A_281] : memref<1000000x128xf32, #tpu.memory_space<hbm>> -> memref<1000000x128xf32, #tpu.memory_space<hbm>>
      %dma_wait3A_283 = tpu.memref_slice %arg8[%dma_wait3A_273] : memref<4x!tpu.dma_semaphore, #tpu.memory_space<semaphore_mem>> -> memref<1x!tpu.dma_semaphore, #tpu.memory_space<semaphore_mem>>
      %dma_wait3A_284 = tpu.memref_squeeze %dma_wait3A_283 : memref<1x!tpu.dma_semaphore, #tpu.memory_space<semaphore_mem>> -> memref<!tpu.dma_semaphore, #tpu.memory_space<semaphore_mem>>
      tpu.wait_indirect_dma semaphore(%dma_wait3A_284 : memref<!tpu.dma_semaphore, #tpu.memory_space<semaphore_mem>>) src(%dma_wait3A_282 : memref<1000000x128xf32, #tpu.memory_space<hbm>>) dst(%dma_wait3A_277 : memref<128x128xf32, #tpu.memory_space<vmem>>)
      %ge3A_285 = arith.constant 4 : i32
      %ge3A_286 = arith.cmpi sge, %add3A_235, %ge3A_285 : i32
      %convert_element_type3A_287 = arith.extui %ge3A_286 : i1 to i32
      %cond3A_288 = arith.constant 0 : i32
      %cond3A_289 = arith.cmpi ne, %convert_element_type3A_287, %cond3A_288 : i32
      scf.if %cond3A_289 {
        %jit3A_559 = arith.constant 50 : i32
        %div3A_560 = arith.divsi %add3A_235, %jit3A_559 : i32
        %sign3A_561 = arith.constant 0 : i32
        %sign3A_562 = arith.cmpi sgt, %add3A_235, %sign3A_561 : i32
        %sign3A_563 = arith.extui %sign3A_562 : i1 to i32
        %sign3A_564 = arith.constant 0 : i32
        %sign3A_565 = arith.cmpi slt, %add3A_235, %sign3A_564 : i32
        %sign3A_566 = arith.extui %sign3A_565 : i1 to i32
        %sign3A_567 = arith.subi %sign3A_563, %sign3A_566 : i32
        %sign3A_568 = arith.constant 0 : i32
        %sign3A_569 = arith.cmpi sgt, %jit3A_559, %sign3A_568 : i32
        %sign3A_570 = arith.extui %sign3A_569 : i1 to i32
        %sign3A_571 = arith.constant 0 : i32
        %sign3A_572 = arith.cmpi slt, %jit3A_559, %sign3A_571 : i32
        %sign3A_573 = arith.extui %sign3A_572 : i1 to i32
        %sign3A_574 = arith.subi %sign3A_570, %sign3A_573 : i32
        %ne3A_575 = arith.cmpi ne, %sign3A_567, %sign3A_574 : i32
        %rem3A_576 = arith.remsi %add3A_235, %jit3A_559 : i32
        %ne3A_577 = arith.constant 0 : i32
        %ne3A_578 = arith.cmpi ne, %rem3A_576, %ne3A_577 : i32
        %and3A_579 = arith.andi %ne3A_575, %ne3A_578 : i1
        %sub3A_580 = arith.constant 1 : i32
        %sub3A_581 = arith.subi %div3A_560, %sub3A_580 : i32
        %select_n3A_582 = arith.select %and3A_579, %sub3A_581, %div3A_560 : i32
        %mul3A_583 = arith.constant 50 : i32
        %mul3A_584 = arith.muli %mul3A_583, %select_n3A_582 : i32
        %sub3A_585 = arith.subi %add3A_235, %mul3A_584 : i32
        %mul3A_586 = arith.constant 128 : i32
        %mul3A_587 = arith.muli %mul3A_586, %select_n3A_582 : i32
        %add3A_588 = arith.addi %mul3A_2, %mul3A_587 : i32
        %dma_wait3A_589 = arith.constant 1 : i32
        %dma_wait3A_590 = arith.constant 1 : i32
        %dma_wait3A_591 = arith.constant 0 : i32
        %dma_wait3A_592 = arith.constant 0 : i32
        %dma_wait3A_593 = tpu.memref_slice %arg7[%dma_wait3A_589, %dma_wait3A_591, %dma_wait3A_592] : memref<4x64x128xf32, #tpu.memory_space<vmem>> -> memref<1x64x128xf32, #tpu.memory_space<vmem>>
        %dma_wait3A_594 = tpu.memref_squeeze %dma_wait3A_593 : memref<1x64x128xf32, #tpu.memory_space<vmem>> -> memref<64x128xf32, #tpu.memory_space<vmem>>
        %dma_wait3A_595 = arith.constant 0 : i32
        %dma_wait3A_596 = tpu.memref_slice %arg4[%sub3A_585, %dma_wait3A_595, %add3A_588] : memref<50x64x16384xf32, #tpu.memory_space<hbm>> -> memref<1x64x128xf32, #tpu.memory_space<hbm>>
        %dma_wait3A_597 = tpu.memref_squeeze %dma_wait3A_596 : memref<1x64x128xf32, #tpu.memory_space<hbm>> -> memref<64x128xf32, #tpu.memory_space<hbm>>
        %dma_wait3A_598 = tpu.memref_slice %arg9[%dma_wait3A_590] : memref<4x!tpu.dma_semaphore, #tpu.memory_space<semaphore_mem>> -> memref<1x!tpu.dma_semaphore, #tpu.memory_space<semaphore_mem>>
        %dma_wait3A_599 = tpu.memref_squeeze %dma_wait3A_598 : memref<1x!tpu.dma_semaphore, #tpu.memory_space<semaphore_mem>> -> memref<!tpu.dma_semaphore, #tpu.memory_space<semaphore_mem>>
        %dma_wait3A_600 = arith.constant 0 : i32
        %dma_wait3A_601 = tpu.memref_slice %arg4[%sub3A_585, %dma_wait3A_600, %add3A_588] : memref<50x64x16384xf32, #tpu.memory_space<hbm>> -> memref<1x64x128xf32, #tpu.memory_space<hbm>>
        %dma_wait3A_602 = tpu.memref_squeeze %dma_wait3A_601 : memref<1x64x128xf32, #tpu.memory_space<hbm>> -> memref<64x128xf32, #tpu.memory_space<hbm>>
        %dma_wait3A_603 = arith.constant 0 : i32
        %dma_wait3A_604 = arith.constant 0 : i32
        %dma_wait3A_605 = tpu.memref_slice %arg7[%dma_wait3A_589, %dma_wait3A_603, %dma_wait3A_604] : memref<4x64x128xf32, #tpu.memory_space<vmem>> -> memref<1x64x128xf32, #tpu.memory_space<vmem>>
        %dma_wait3A_606 = tpu.memref_squeeze %dma_wait3A_605 : memref<1x64x128xf32, #tpu.memory_space<vmem>> -> memref<64x128xf32, #tpu.memory_space<vmem>>
        tpu.wait_dma2 semaphore(%dma_wait3A_599 : memref<!tpu.dma_semaphore, #tpu.memory_space<semaphore_mem>>) src(%dma_wait3A_606 : memref<64x128xf32, #tpu.memory_space<vmem>>) dst(%dma_wait3A_602 : memref<64x128xf32, #tpu.memory_space<hbm>>)
      } else {
      }
      %parallel_loop3A_290 = arith.constant 0 : i32
      %parallel_loop3A_291 = arith.constant 512 : i32
      %parallel_loop3A_292 = arith.constant 1 : i32
      scf.for %parallel_loop3A_559 = %parallel_loop3A_290 to %parallel_loop3A_291 step %parallel_loop3A_292  : i32 {
        %parallel_loop3A_560 = arith.constant 64 : i32
        %parallel_loop3A_561 = arith.divsi %parallel_loop3A_559, %parallel_loop3A_560 : i32
        %parallel_loop3A_562 = arith.constant 0 : i32
        %parallel_loop3A_563 = arith.cmpi sgt, %parallel_loop3A_559, %parallel_loop3A_562 : i32
        %parallel_loop3A_564 = arith.extui %parallel_loop3A_563 : i1 to i32
        %parallel_loop3A_565 = arith.constant 0 : i32
        %parallel_loop3A_566 = arith.cmpi slt, %parallel_loop3A_559, %parallel_loop3A_565 : i32
        %parallel_loop3A_567 = arith.extui %parallel_loop3A_566 : i1 to i32
        %parallel_loop3A_568 = arith.subi %parallel_loop3A_564, %parallel_loop3A_567 : i32
        %parallel_loop3A_569 = arith.constant 0 : i32
        %parallel_loop3A_570 = arith.cmpi sgt, %parallel_loop3A_560, %parallel_loop3A_569 : i32
        %parallel_loop3A_571 = arith.extui %parallel_loop3A_570 : i1 to i32
        %parallel_loop3A_572 = arith.constant 0 : i32
        %parallel_loop3A_573 = arith.cmpi slt, %parallel_loop3A_560, %parallel_loop3A_572 : i32
        %parallel_loop3A_574 = arith.extui %parallel_loop3A_573 : i1 to i32
        %parallel_loop3A_575 = arith.subi %parallel_loop3A_571, %parallel_loop3A_574 : i32
        %parallel_loop3A_576 = arith.cmpi ne, %parallel_loop3A_568, %parallel_loop3A_575 : i32
        %parallel_loop3A_577 = arith.remsi %parallel_loop3A_559, %parallel_loop3A_560 : i32
        %parallel_loop3A_578 = arith.constant 0 : i32
        %parallel_loop3A_579 = arith.cmpi ne, %parallel_loop3A_577, %parallel_loop3A_578 : i32
        %parallel_loop3A_580 = arith.andi %parallel_loop3A_576, %parallel_loop3A_579 : i1
        %parallel_loop3A_581 = arith.constant 1 : i32
        %parallel_loop3A_582 = arith.subi %parallel_loop3A_561, %parallel_loop3A_581 : i32
        %parallel_loop3A_583 = arith.select %parallel_loop3A_580, %parallel_loop3A_582, %parallel_loop3A_561 : i32
        %parallel_loop3A_584 = arith.constant 64 : i32
        %parallel_loop3A_585 = arith.muli %parallel_loop3A_584, %parallel_loop3A_583 : i32
        %parallel_loop3A_586 = arith.subi %parallel_loop3A_559, %parallel_loop3A_585 : i32
        %parallel_loop3A_587 = arith.constant 16 : i32
        %parallel_loop3A_588 = arith.muli %parallel_loop3A_587, %parallel_loop3A_583 : i32
        %parallel_loop3A_589 = vector.broadcast %parallel_loop3A_588 : i32 to vector<16xi32>
        %parallel_loop3A_590 = arith.addi %iota3A, %parallel_loop3A_589 : vector<16xi32>
        %parallel_loop3A_591 = vector.broadcast %parallel_loop3A_586 : i32 to vector<16xi32>
        %parallel_loop3A_592 = arith.constant 1 : i32
        %parallel_loop3A_593 = arith.constant 0 : i32
        %parallel_loop3A_594 = arith.constant 0 : i32
        %parallel_loop3A_595 = tpu.memref_slice %arg6[%parallel_loop3A_592, %parallel_loop3A_593, %parallel_loop3A_594] : memref<4x128x128xf32, #tpu.memory_space<vmem>> -> memref<1x128x128xf32, #tpu.memory_space<vmem>>
        %parallel_loop3A_596 = tpu.memref_squeeze %parallel_loop3A_595 : memref<1x128x128xf32, #tpu.memory_space<vmem>> -> memref<128x128xf32, #tpu.memory_space<vmem>>
        %parallel_loop3A_597 = tpu.vector_load_idx %parallel_loop3A_596[%parallel_loop3A_590, %parallel_loop3A_591] : memref<128x128xf32, #tpu.memory_space<vmem>>[vector<16xi32>, vector<16xi32>], vector<16xf32>,
        %parallel_loop3A_598 = arith.constant 16 : i32
        %parallel_loop3A_599 = arith.muli %parallel_loop3A_598, %parallel_loop3A_583 : i32
        %parallel_loop3A_600 = arith.constant 1 : i32
        %parallel_loop3A_601 = arith.index_cast %parallel_loop3A_600 : i32 to index
        %parallel_loop3A_602 = arith.index_cast %parallel_loop3A_586 : i32 to index
        %parallel_loop3A_603 = arith.index_cast %parallel_loop3A_599 : i32 to index
        %parallel_loop3A_604 = tpu.vector_load %arg7[%parallel_loop3A_601, %parallel_loop3A_602, %parallel_loop3A_603] {strides = array<i32>} : memref<4x64x128xf32, #tpu.memory_space<vmem>>, vector<16xf32>,
        tpu.vector_store %arg7[%parallel_loop3A_601, %parallel_loop3A_602, %parallel_loop3A_603], %parallel_loop3A_597 {strides = array<i32>} : memref<4x64x128xf32, #tpu.memory_space<vmem>>, vector<16xf32>,
      } {sc.loop_unroll_factor = 16 : i64, sc.parallel_access}
      %jit3A_293 = arith.constant 50 : i32
      %div3A_294 = arith.divsi %add3A_235, %jit3A_293 : i32
      %sign3A_295 = arith.constant 0 : i32
      %sign3A_296 = arith.cmpi sgt, %add3A_235, %sign3A_295 : i32
      %sign3A_297 = arith.extui %sign3A_296 : i1 to i32
      %sign3A_298 = arith.constant 0 : i32
      %sign3A_299 = arith.cmpi slt, %add3A_235, %sign3A_298 : i32
      %sign3A_300 = arith.extui %sign3A_299 : i1 to i32
      %sign3A_301 = arith.subi %sign3A_297, %sign3A_300 : i32
      %sign3A_302 = arith.constant 0 : i32
      %sign3A_303 = arith.cmpi sgt, %jit3A_293, %sign3A_302 : i32
      %sign3A_304 = arith.extui %sign3A_303 : i1 to i32
      %sign3A_305 = arith.constant 0 : i32
      %sign3A_306 = arith.cmpi slt, %jit3A_293, %sign3A_305 : i32
      %sign3A_307 = arith.extui %sign3A_306 : i1 to i32
      %sign3A_308 = arith.subi %sign3A_304, %sign3A_307 : i32
      %ne3A_309 = arith.cmpi ne, %sign3A_301, %sign3A_308 : i32
      %rem3A_310 = arith.remsi %add3A_235, %jit3A_293 : i32
      %ne3A_311 = arith.constant 0 : i32
      %ne3A_312 = arith.cmpi ne, %rem3A_310, %ne3A_311 : i32
      %and3A_313 = arith.andi %ne3A_309, %ne3A_312 : i1
      %sub3A_314 = arith.constant 1 : i32
      %sub3A_315 = arith.subi %div3A_294, %sub3A_314 : i32
      %select_n3A_316 = arith.select %and3A_313, %sub3A_315, %div3A_294 : i32
      %mul3A_317 = arith.constant 50 : i32
      %mul3A_318 = arith.muli %mul3A_317, %select_n3A_316 : i32
      %sub3A_319 = arith.subi %add3A_235, %mul3A_318 : i32
      %mul3A_320 = arith.constant 128 : i32
      %mul3A_321 = arith.muli %mul3A_320, %select_n3A_316 : i32
      %add3A_322 = arith.addi %mul3A_2, %mul3A_321 : i32
      %dma_start3A_323 = arith.constant 1 : i32
      %dma_start3A_324 = arith.constant 1 : i32
      %dma_start3A_325 = arith.constant 0 : i32
      %dma_start3A_326 = arith.constant 0 : i32
      %dma_start3A_327 = tpu.memref_slice %arg7[%dma_start3A_323, %dma_start3A_325, %dma_start3A_326] : memref<4x64x128xf32, #tpu.memory_space<vmem>> -> memref<1x64x128xf32, #tpu.memory_space<vmem>>
      %dma_start3A_328 = tpu.memref_squeeze %dma_start3A_327 : memref<1x64x128xf32, #tpu.memory_space<vmem>> -> memref<64x128xf32, #tpu.memory_space<vmem>>
      %dma_start3A_329 = arith.constant 0 : i32
      %dma_start3A_330 = tpu.memref_slice %arg4[%sub3A_319, %dma_start3A_329, %add3A_322] : memref<50x64x16384xf32, #tpu.memory_space<hbm>> -> memref<1x64x128xf32, #tpu.memory_space<hbm>>
      %dma_start3A_331 = tpu.memref_squeeze %dma_start3A_330 : memref<1x64x128xf32, #tpu.memory_space<hbm>> -> memref<64x128xf32, #tpu.memory_space<hbm>>
      %dma_start3A_332 = tpu.memref_slice %arg9[%dma_start3A_324] : memref<4x!tpu.dma_semaphore, #tpu.memory_space<semaphore_mem>> -> memref<1x!tpu.dma_semaphore, #tpu.memory_space<semaphore_mem>>
      %dma_start3A_333 = tpu.memref_squeeze %dma_start3A_332 : memref<1x!tpu.dma_semaphore, #tpu.memory_space<semaphore_mem>> -> memref<!tpu.dma_semaphore, #tpu.memory_space<semaphore_mem>>
      %dma_start3A_334 = arith.constant 0 : i32
      %dma_start3A_335 = tpu.memref_slice %arg4[%sub3A_319, %dma_start3A_334, %add3A_322] : memref<50x64x16384xf32, #tpu.memory_space<hbm>> -> memref<1x64x128xf32, #tpu.memory_space<hbm>>
      %dma_start3A_336 = tpu.memref_squeeze %dma_start3A_335 : memref<1x64x128xf32, #tpu.memory_space<hbm>> -> memref<64x128xf32, #tpu.memory_space<hbm>>
      %dma_start3A_337 = arith.constant 0 : i32
      %dma_start3A_338 = arith.constant 0 : i32
      %dma_start3A_339 = tpu.memref_slice %arg7[%dma_start3A_323, %dma_start3A_337, %dma_start3A_338] : memref<4x64x128xf32, #tpu.memory_space<vmem>> -> memref<1x64x128xf32, #tpu.memory_space<vmem>>
      %dma_start3A_340 = tpu.memref_squeeze %dma_start3A_339 : memref<1x64x128xf32, #tpu.memory_space<vmem>> -> memref<64x128xf32, #tpu.memory_space<vmem>>
      tpu.enqueue_dma source(%dma_start3A_340 : memref<64x128xf32, #tpu.memory_space<vmem>>) target(%dma_start3A_336 : memref<64x128xf32, #tpu.memory_space<hbm>>) target_semaphore(%dma_start3A_333 : memref<!tpu.dma_semaphore, #tpu.memory_space<semaphore_mem>>)
      %mul3A_341 = arith.constant 4 : i32
      %mul3A_342 = arith.muli %mul3A_341, %scan3A_135 : i32
      %add3A_343 = arith.constant 2 : i32
      %add3A_344 = arith.addi %mul3A_342, %add3A_343 : i32
      %add3A_345 = arith.constant 3 : i32
      %add3A_346 = arith.addi %add3A_344, %add3A_345 : i32
      %lt3A_347 = arith.constant 200 : i32
      %lt3A_348 = arith.cmpi slt, %add3A_346, %lt3A_347 : i32
      %convert_element_type3A_349 = arith.extui %lt3A_348 : i1 to i32
      %cond3A_350 = arith.constant 0 : i32
      %cond3A_351 = arith.cmpi ne, %convert_element_type3A_349, %cond3A_350 : i32
      scf.if %cond3A_351 {
        %add3A_559 = arith.constant 3 : i32
        %add3A_560 = arith.addi %add3A_344, %add3A_559 : i32
        %jit3A_561 = arith.constant 50 : i32
        %div3A_562 = arith.divsi %add3A_560, %jit3A_561 : i32
        %sign3A_563 = arith.constant 0 : i32
        %sign3A_564 = arith.cmpi sgt, %add3A_560, %sign3A_563 : i32
        %sign3A_565 = arith.extui %sign3A_564 : i1 to i32
        %sign3A_566 = arith.constant 0 : i32
        %sign3A_567 = arith.cmpi slt, %add3A_560, %sign3A_566 : i32
        %sign3A_568 = arith.extui %sign3A_567 : i1 to i32
        %sign3A_569 = arith.subi %sign3A_565, %sign3A_568 : i32
        %sign3A_570 = arith.constant 0 : i32
        %sign3A_571 = arith.cmpi sgt, %jit3A_561, %sign3A_570 : i32
        %sign3A_572 = arith.extui %sign3A_571 : i1 to i32
        %sign3A_573 = arith.constant 0 : i32
        %sign3A_574 = arith.cmpi slt, %jit3A_561, %sign3A_573 : i32
        %sign3A_575 = arith.extui %sign3A_574 : i1 to i32
        %sign3A_576 = arith.subi %sign3A_572, %sign3A_575 : i32
        %ne3A_577 = arith.cmpi ne, %sign3A_569, %sign3A_576 : i32
        %rem3A_578 = arith.remsi %add3A_560, %jit3A_561 : i32
        %ne3A_579 = arith.constant 0 : i32
        %ne3A_580 = arith.cmpi ne, %rem3A_578, %ne3A_579 : i32
        %and3A_581 = arith.andi %ne3A_577, %ne3A_580 : i1
        %sub3A_582 = arith.constant 1 : i32
        %sub3A_583 = arith.subi %div3A_562, %sub3A_582 : i32
        %select_n3A_584 = arith.select %and3A_581, %sub3A_583, %div3A_562 : i32
        %mul3A_585 = arith.constant 50 : i32
        %mul3A_586 = arith.muli %mul3A_585, %select_n3A_584 : i32
        %sub3A_587 = arith.subi %add3A_560, %mul3A_586 : i32
        %mul3A_588 = arith.constant 128 : i32
        %mul3A_589 = arith.muli %mul3A_588, %select_n3A_584 : i32
        %dma_start3A_590 = arith.constant 1 : i32
        %dma_start3A_591 = arith.constant 1 : i32
        %dma_start3A_592 = arith.constant 0 : i32
        %dma_start3A_593 = arith.constant 0 : i32
        %dma_start3A_594 = tpu.memref_slice %arg6[%dma_start3A_590, %dma_start3A_592, %dma_start3A_593] : memref<4x128x128xf32, #tpu.memory_space<vmem>> -> memref<1x128x128xf32, #tpu.memory_space<vmem>>
        %dma_start3A_595 = tpu.memref_squeeze %dma_start3A_594 : memref<1x128x128xf32, #tpu.memory_space<vmem>> -> memref<128x128xf32, #tpu.memory_space<vmem>>
        %dma_start3A_596 = tpu.memref_slice %arg5[%sub3A_587, %mul3A_589] : memref<56x512xi32, #tpu.memory_space<vmem>> -> memref<1x128xi32, #tpu.memory_space<vmem>>
        %dma_start3A_597 = tpu.memref_squeeze %dma_start3A_596 : memref<1x128xi32, #tpu.memory_space<vmem>> -> memref<128xi32, #tpu.memory_space<vmem>>
        %dma_start3A_598 = arith.constant 0 : i32
        %dma_start3A_599 = arith.constant 0 : i32
        %dma_start3A_600 = tpu.memref_slice %arg3[%dma_start3A_598, %dma_start3A_599] : memref<1000000x128xf32, #tpu.memory_space<hbm>> -> memref<1000000x128xf32, #tpu.memory_space<hbm>>
        %dma_start3A_601 = tpu.memref_slice %arg8[%dma_start3A_591] : memref<4x!tpu.dma_semaphore, #tpu.memory_space<semaphore_mem>> -> memref<1x!tpu.dma_semaphore, #tpu.memory_space<semaphore_mem>>
        %dma_start3A_602 = tpu.memref_squeeze %dma_start3A_601 : memref<1x!tpu.dma_semaphore, #tpu.memory_space<semaphore_mem>> -> memref<!tpu.dma_semaphore, #tpu.memory_space<semaphore_mem>>
        tpu.enqueue_indirect_dma source(%dma_start3A_600 : memref<1000000x128xf32, #tpu.memory_space<hbm>>) target(%dma_start3A_595 : memref<128x128xf32, #tpu.memory_space<vmem>>) offsets(%dma_start3A_597 : memref<128xi32, #tpu.memory_space<vmem>>) semaphore(%dma_start3A_602 : memref<!tpu.dma_semaphore, #tpu.memory_space<semaphore_mem>>)
      } else {
      }
      %jit3A_352 = arith.constant 50 : i32
      %div3A_353 = arith.divsi %add3A_344, %jit3A_352 : i32
      %sign3A_354 = arith.constant 0 : i32
      %sign3A_355 = arith.cmpi sgt, %add3A_344, %sign3A_354 : i32
      %sign3A_356 = arith.extui %sign3A_355 : i1 to i32
      %sign3A_357 = arith.constant 0 : i32
      %sign3A_358 = arith.cmpi slt, %add3A_344, %sign3A_357 : i32
      %sign3A_359 = arith.extui %sign3A_358 : i1 to i32
      %sign3A_360 = arith.subi %sign3A_356, %sign3A_359 : i32
      %sign3A_361 = arith.constant 0 : i32
      %sign3A_362 = arith.cmpi sgt, %jit3A_352, %sign3A_361 : i32
      %sign3A_363 = arith.extui %sign3A_362 : i1 to i32
      %sign3A_364 = arith.constant 0 : i32
      %sign3A_365 = arith.cmpi slt, %jit3A_352, %sign3A_364 : i32
      %sign3A_366 = arith.extui %sign3A_365 : i1 to i32
      %sign3A_367 = arith.subi %sign3A_363, %sign3A_366 : i32
      %ne3A_368 = arith.cmpi ne, %sign3A_360, %sign3A_367 : i32
      %rem3A_369 = arith.remsi %add3A_344, %jit3A_352 : i32
      %ne3A_370 = arith.constant 0 : i32
      %ne3A_371 = arith.cmpi ne, %rem3A_369, %ne3A_370 : i32
      %and3A_372 = arith.andi %ne3A_368, %ne3A_371 : i1
      %sub3A_373 = arith.constant 1 : i32
      %sub3A_374 = arith.subi %div3A_353, %sub3A_373 : i32
      %select_n3A_375 = arith.select %and3A_372, %sub3A_374, %div3A_353 : i32
      %mul3A_376 = arith.constant 50 : i32
      %mul3A_377 = arith.muli %mul3A_376, %select_n3A_375 : i32
      %sub3A_378 = arith.subi %add3A_344, %mul3A_377 : i32
      %mul3A_379 = arith.constant 128 : i32
      %mul3A_380 = arith.muli %mul3A_379, %select_n3A_375 : i32
      %dma_wait3A_381 = arith.constant 2 : i32
      %dma_wait3A_382 = arith.constant 2 : i32
      %dma_wait3A_383 = arith.constant 0 : i32
      %dma_wait3A_384 = arith.constant 0 : i32
      %dma_wait3A_385 = tpu.memref_slice %arg6[%dma_wait3A_381, %dma_wait3A_383, %dma_wait3A_384] : memref<4x128x128xf32, #tpu.memory_space<vmem>> -> memref<1x128x128xf32, #tpu.memory_space<vmem>>
      %dma_wait3A_386 = tpu.memref_squeeze %dma_wait3A_385 : memref<1x128x128xf32, #tpu.memory_space<vmem>> -> memref<128x128xf32, #tpu.memory_space<vmem>>
      %dma_wait3A_387 = tpu.memref_slice %arg5[%sub3A_378, %mul3A_380] : memref<56x512xi32, #tpu.memory_space<vmem>> -> memref<1x128xi32, #tpu.memory_space<vmem>>
      %dma_wait3A_388 = tpu.memref_squeeze %dma_wait3A_387 : memref<1x128xi32, #tpu.memory_space<vmem>> -> memref<128xi32, #tpu.memory_space<vmem>>
      %dma_wait3A_389 = arith.constant 0 : i32
      %dma_wait3A_390 = arith.constant 0 : i32
      %dma_wait3A_391 = tpu.memref_slice %arg3[%dma_wait3A_389, %dma_wait3A_390] : memref<1000000x128xf32, #tpu.memory_space<hbm>> -> memref<1000000x128xf32, #tpu.memory_space<hbm>>
      %dma_wait3A_392 = tpu.memref_slice %arg8[%dma_wait3A_382] : memref<4x!tpu.dma_semaphore, #tpu.memory_space<semaphore_mem>> -> memref<1x!tpu.dma_semaphore, #tpu.memory_space<semaphore_mem>>
      %dma_wait3A_393 = tpu.memref_squeeze %dma_wait3A_392 : memref<1x!tpu.dma_semaphore, #tpu.memory_space<semaphore_mem>> -> memref<!tpu.dma_semaphore, #tpu.memory_space<semaphore_mem>>
      tpu.wait_indirect_dma semaphore(%dma_wait3A_393 : memref<!tpu.dma_semaphore, #tpu.memory_space<semaphore_mem>>) src(%dma_wait3A_391 : memref<1000000x128xf32, #tpu.memory_space<hbm>>) dst(%dma_wait3A_386 : memref<128x128xf32, #tpu.memory_space<vmem>>)
      %ge3A_394 = arith.constant 4 : i32
      %ge3A_395 = arith.cmpi sge, %add3A_344, %ge3A_394 : i32
      %convert_element_type3A_396 = arith.extui %ge3A_395 : i1 to i32
      %cond3A_397 = arith.constant 0 : i32
      %cond3A_398 = arith.cmpi ne, %convert_element_type3A_396, %cond3A_397 : i32
      scf.if %cond3A_398 {
        %jit3A_559 = arith.constant 50 : i32
        %div3A_560 = arith.divsi %add3A_344, %jit3A_559 : i32
        %sign3A_561 = arith.constant 0 : i32
        %sign3A_562 = arith.cmpi sgt, %add3A_344, %sign3A_561 : i32
        %sign3A_563 = arith.extui %sign3A_562 : i1 to i32
        %sign3A_564 = arith.constant 0 : i32
        %sign3A_565 = arith.cmpi slt, %add3A_344, %sign3A_564 : i32
        %sign3A_566 = arith.extui %sign3A_565 : i1 to i32
        %sign3A_567 = arith.subi %sign3A_563, %sign3A_566 : i32
        %sign3A_568 = arith.constant 0 : i32
        %sign3A_569 = arith.cmpi sgt, %jit3A_559, %sign3A_568 : i32
        %sign3A_570 = arith.extui %sign3A_569 : i1 to i32
        %sign3A_571 = arith.constant 0 : i32
        %sign3A_572 = arith.cmpi slt, %jit3A_559, %sign3A_571 : i32
        %sign3A_573 = arith.extui %sign3A_572 : i1 to i32
        %sign3A_574 = arith.subi %sign3A_570, %sign3A_573 : i32
        %ne3A_575 = arith.cmpi ne, %sign3A_567, %sign3A_574 : i32
        %rem3A_576 = arith.remsi %add3A_344, %jit3A_559 : i32
        %ne3A_577 = arith.constant 0 : i32
        %ne3A_578 = arith.cmpi ne, %rem3A_576, %ne3A_577 : i32
        %and3A_579 = arith.andi %ne3A_575, %ne3A_578 : i1
        %sub3A_580 = arith.constant 1 : i32
        %sub3A_581 = arith.subi %div3A_560, %sub3A_580 : i32
        %select_n3A_582 = arith.select %and3A_579, %sub3A_581, %div3A_560 : i32
        %mul3A_583 = arith.constant 50 : i32
        %mul3A_584 = arith.muli %mul3A_583, %select_n3A_582 : i32
        %sub3A_585 = arith.subi %add3A_344, %mul3A_584 : i32
        %mul3A_586 = arith.constant 128 : i32
        %mul3A_587 = arith.muli %mul3A_586, %select_n3A_582 : i32
        %add3A_588 = arith.addi %mul3A_2, %mul3A_587 : i32
        %dma_wait3A_589 = arith.constant 2 : i32
        %dma_wait3A_590 = arith.constant 2 : i32
        %dma_wait3A_591 = arith.constant 0 : i32
        %dma_wait3A_592 = arith.constant 0 : i32
        %dma_wait3A_593 = tpu.memref_slice %arg7[%dma_wait3A_589, %dma_wait3A_591, %dma_wait3A_592] : memref<4x64x128xf32, #tpu.memory_space<vmem>> -> memref<1x64x128xf32, #tpu.memory_space<vmem>>
        %dma_wait3A_594 = tpu.memref_squeeze %dma_wait3A_593 : memref<1x64x128xf32, #tpu.memory_space<vmem>> -> memref<64x128xf32, #tpu.memory_space<vmem>>
        %dma_wait3A_595 = arith.constant 0 : i32
        %dma_wait3A_596 = tpu.memref_slice %arg4[%sub3A_585, %dma_wait3A_595, %add3A_588] : memref<50x64x16384xf32, #tpu.memory_space<hbm>> -> memref<1x64x128xf32, #tpu.memory_space<hbm>>
        %dma_wait3A_597 = tpu.memref_squeeze %dma_wait3A_596 : memref<1x64x128xf32, #tpu.memory_space<hbm>> -> memref<64x128xf32, #tpu.memory_space<hbm>>
        %dma_wait3A_598 = tpu.memref_slice %arg9[%dma_wait3A_590] : memref<4x!tpu.dma_semaphore, #tpu.memory_space<semaphore_mem>> -> memref<1x!tpu.dma_semaphore, #tpu.memory_space<semaphore_mem>>
        %dma_wait3A_599 = tpu.memref_squeeze %dma_wait3A_598 : memref<1x!tpu.dma_semaphore, #tpu.memory_space<semaphore_mem>> -> memref<!tpu.dma_semaphore, #tpu.memory_space<semaphore_mem>>
        %dma_wait3A_600 = arith.constant 0 : i32
        %dma_wait3A_601 = tpu.memref_slice %arg4[%sub3A_585, %dma_wait3A_600, %add3A_588] : memref<50x64x16384xf32, #tpu.memory_space<hbm>> -> memref<1x64x128xf32, #tpu.memory_space<hbm>>
        %dma_wait3A_602 = tpu.memref_squeeze %dma_wait3A_601 : memref<1x64x128xf32, #tpu.memory_space<hbm>> -> memref<64x128xf32, #tpu.memory_space<hbm>>
        %dma_wait3A_603 = arith.constant 0 : i32
        %dma_wait3A_604 = arith.constant 0 : i32
        %dma_wait3A_605 = tpu.memref_slice %arg7[%dma_wait3A_589, %dma_wait3A_603, %dma_wait3A_604] : memref<4x64x128xf32, #tpu.memory_space<vmem>> -> memref<1x64x128xf32, #tpu.memory_space<vmem>>
        %dma_wait3A_606 = tpu.memref_squeeze %dma_wait3A_605 : memref<1x64x128xf32, #tpu.memory_space<vmem>> -> memref<64x128xf32, #tpu.memory_space<vmem>>
        tpu.wait_dma2 semaphore(%dma_wait3A_599 : memref<!tpu.dma_semaphore, #tpu.memory_space<semaphore_mem>>) src(%dma_wait3A_606 : memref<64x128xf32, #tpu.memory_space<vmem>>) dst(%dma_wait3A_602 : memref<64x128xf32, #tpu.memory_space<hbm>>)
      } else {
      }
      %parallel_loop3A_399 = arith.constant 0 : i32
      %parallel_loop3A_400 = arith.constant 512 : i32
      %parallel_loop3A_401 = arith.constant 1 : i32
      scf.for %parallel_loop3A_559 = %parallel_loop3A_399 to %parallel_loop3A_400 step %parallel_loop3A_401  : i32 {
        %parallel_loop3A_560 = arith.constant 64 : i32
        %parallel_loop3A_561 = arith.divsi %parallel_loop3A_559, %parallel_loop3A_560 : i32
        %parallel_loop3A_562 = arith.constant 0 : i32
        %parallel_loop3A_563 = arith.cmpi sgt, %parallel_loop3A_559, %parallel_loop3A_562 : i32
        %parallel_loop3A_564 = arith.extui %parallel_loop3A_563 : i1 to i32
        %parallel_loop3A_565 = arith.constant 0 : i32
        %parallel_loop3A_566 = arith.cmpi slt, %parallel_loop3A_559, %parallel_loop3A_565 : i32
        %parallel_loop3A_567 = arith.extui %parallel_loop3A_566 : i1 to i32
        %parallel_loop3A_568 = arith.subi %parallel_loop3A_564, %parallel_loop3A_567 : i32
        %parallel_loop3A_569 = arith.constant 0 : i32
        %parallel_loop3A_570 = arith.cmpi sgt, %parallel_loop3A_560, %parallel_loop3A_569 : i32
        %parallel_loop3A_571 = arith.extui %parallel_loop3A_570 : i1 to i32
        %parallel_loop3A_572 = arith.constant 0 : i32
        %parallel_loop3A_573 = arith.cmpi slt, %parallel_loop3A_560, %parallel_loop3A_572 : i32
        %parallel_loop3A_574 = arith.extui %parallel_loop3A_573 : i1 to i32
        %parallel_loop3A_575 = arith.subi %parallel_loop3A_571, %parallel_loop3A_574 : i32
        %parallel_loop3A_576 = arith.cmpi ne, %parallel_loop3A_568, %parallel_loop3A_575 : i32
        %parallel_loop3A_577 = arith.remsi %parallel_loop3A_559, %parallel_loop3A_560 : i32
        %parallel_loop3A_578 = arith.constant 0 : i32
        %parallel_loop3A_579 = arith.cmpi ne, %parallel_loop3A_577, %parallel_loop3A_578 : i32
        %parallel_loop3A_580 = arith.andi %parallel_loop3A_576, %parallel_loop3A_579 : i1
        %parallel_loop3A_581 = arith.constant 1 : i32
        %parallel_loop3A_582 = arith.subi %parallel_loop3A_561, %parallel_loop3A_581 : i32
        %parallel_loop3A_583 = arith.select %parallel_loop3A_580, %parallel_loop3A_582, %parallel_loop3A_561 : i32
        %parallel_loop3A_584 = arith.constant 64 : i32
        %parallel_loop3A_585 = arith.muli %parallel_loop3A_584, %parallel_loop3A_583 : i32
        %parallel_loop3A_586 = arith.subi %parallel_loop3A_559, %parallel_loop3A_585 : i32
        %parallel_loop3A_587 = arith.constant 16 : i32
        %parallel_loop3A_588 = arith.muli %parallel_loop3A_587, %parallel_loop3A_583 : i32
        %parallel_loop3A_589 = vector.broadcast %parallel_loop3A_588 : i32 to vector<16xi32>
        %parallel_loop3A_590 = arith.addi %iota3A, %parallel_loop3A_589 : vector<16xi32>
        %parallel_loop3A_591 = vector.broadcast %parallel_loop3A_586 : i32 to vector<16xi32>
        %parallel_loop3A_592 = arith.constant 2 : i32
        %parallel_loop3A_593 = arith.constant 0 : i32
        %parallel_loop3A_594 = arith.constant 0 : i32
        %parallel_loop3A_595 = tpu.memref_slice %arg6[%parallel_loop3A_592, %parallel_loop3A_593, %parallel_loop3A_594] : memref<4x128x128xf32, #tpu.memory_space<vmem>> -> memref<1x128x128xf32, #tpu.memory_space<vmem>>
        %parallel_loop3A_596 = tpu.memref_squeeze %parallel_loop3A_595 : memref<1x128x128xf32, #tpu.memory_space<vmem>> -> memref<128x128xf32, #tpu.memory_space<vmem>>
        %parallel_loop3A_597 = tpu.vector_load_idx %parallel_loop3A_596[%parallel_loop3A_590, %parallel_loop3A_591] : memref<128x128xf32, #tpu.memory_space<vmem>>[vector<16xi32>, vector<16xi32>], vector<16xf32>,
        %parallel_loop3A_598 = arith.constant 16 : i32
        %parallel_loop3A_599 = arith.muli %parallel_loop3A_598, %parallel_loop3A_583 : i32
        %parallel_loop3A_600 = arith.constant 2 : i32
        %parallel_loop3A_601 = arith.index_cast %parallel_loop3A_600 : i32 to index
        %parallel_loop3A_602 = arith.index_cast %parallel_loop3A_586 : i32 to index
        %parallel_loop3A_603 = arith.index_cast %parallel_loop3A_599 : i32 to index
        %parallel_loop3A_604 = tpu.vector_load %arg7[%parallel_loop3A_601, %parallel_loop3A_602, %parallel_loop3A_603] {strides = array<i32>} : memref<4x64x128xf32, #tpu.memory_space<vmem>>, vector<16xf32>,
        tpu.vector_store %arg7[%parallel_loop3A_601, %parallel_loop3A_602, %parallel_loop3A_603], %parallel_loop3A_597 {strides = array<i32>} : memref<4x64x128xf32, #tpu.memory_space<vmem>>, vector<16xf32>,
      } {sc.loop_unroll_factor = 16 : i64, sc.parallel_access}
      %jit3A_402 = arith.constant 50 : i32
      %div3A_403 = arith.divsi %add3A_344, %jit3A_402 : i32
      %sign3A_404 = arith.constant 0 : i32
      %sign3A_405 = arith.cmpi sgt, %add3A_344, %sign3A_404 : i32
      %sign3A_406 = arith.extui %sign3A_405 : i1 to i32
      %sign3A_407 = arith.constant 0 : i32
      %sign3A_408 = arith.cmpi slt, %add3A_344, %sign3A_407 : i32
      %sign3A_409 = arith.extui %sign3A_408 : i1 to i32
      %sign3A_410 = arith.subi %sign3A_406, %sign3A_409 : i32
      %sign3A_411 = arith.constant 0 : i32
      %sign3A_412 = arith.cmpi sgt, %jit3A_402, %sign3A_411 : i32
      %sign3A_413 = arith.extui %sign3A_412 : i1 to i32
      %sign3A_414 = arith.constant 0 : i32
      %sign3A_415 = arith.cmpi slt, %jit3A_402, %sign3A_414 : i32
      %sign3A_416 = arith.extui %sign3A_415 : i1 to i32
      %sign3A_417 = arith.subi %sign3A_413, %sign3A_416 : i32
      %ne3A_418 = arith.cmpi ne, %sign3A_410, %sign3A_417 : i32
      %rem3A_419 = arith.remsi %add3A_344, %jit3A_402 : i32
      %ne3A_420 = arith.constant 0 : i32
      %ne3A_421 = arith.cmpi ne, %rem3A_419, %ne3A_420 : i32
      %and3A_422 = arith.andi %ne3A_418, %ne3A_421 : i1
      %sub3A_423 = arith.constant 1 : i32
      %sub3A_424 = arith.subi %div3A_403, %sub3A_423 : i32
      %select_n3A_425 = arith.select %and3A_422, %sub3A_424, %div3A_403 : i32
      %mul3A_426 = arith.constant 50 : i32
      %mul3A_427 = arith.muli %mul3A_426, %select_n3A_425 : i32
      %sub3A_428 = arith.subi %add3A_344, %mul3A_427 : i32
      %mul3A_429 = arith.constant 128 : i32
      %mul3A_430 = arith.muli %mul3A_429, %select_n3A_425 : i32
      %add3A_431 = arith.addi %mul3A_2, %mul3A_430 : i32
      %dma_start3A_432 = arith.constant 2 : i32
      %dma_start3A_433 = arith.constant 2 : i32
      %dma_start3A_434 = arith.constant 0 : i32
      %dma_start3A_435 = arith.constant 0 : i32
      %dma_start3A_436 = tpu.memref_slice %arg7[%dma_start3A_432, %dma_start3A_434, %dma_start3A_435] : memref<4x64x128xf32, #tpu.memory_space<vmem>> -> memref<1x64x128xf32, #tpu.memory_space<vmem>>
      %dma_start3A_437 = tpu.memref_squeeze %dma_start3A_436 : memref<1x64x128xf32, #tpu.memory_space<vmem>> -> memref<64x128xf32, #tpu.memory_space<vmem>>
      %dma_start3A_438 = arith.constant 0 : i32
      %dma_start3A_439 = tpu.memref_slice %arg4[%sub3A_428, %dma_start3A_438, %add3A_431] : memref<50x64x16384xf32, #tpu.memory_space<hbm>> -> memref<1x64x128xf32, #tpu.memory_space<hbm>>
      %dma_start3A_440 = tpu.memref_squeeze %dma_start3A_439 : memref<1x64x128xf32, #tpu.memory_space<hbm>> -> memref<64x128xf32, #tpu.memory_space<hbm>>
      %dma_start3A_441 = tpu.memref_slice %arg9[%dma_start3A_433] : memref<4x!tpu.dma_semaphore, #tpu.memory_space<semaphore_mem>> -> memref<1x!tpu.dma_semaphore, #tpu.memory_space<semaphore_mem>>
      %dma_start3A_442 = tpu.memref_squeeze %dma_start3A_441 : memref<1x!tpu.dma_semaphore, #tpu.memory_space<semaphore_mem>> -> memref<!tpu.dma_semaphore, #tpu.memory_space<semaphore_mem>>
      %dma_start3A_443 = arith.constant 0 : i32
      %dma_start3A_444 = tpu.memref_slice %arg4[%sub3A_428, %dma_start3A_443, %add3A_431] : memref<50x64x16384xf32, #tpu.memory_space<hbm>> -> memref<1x64x128xf32, #tpu.memory_space<hbm>>
      %dma_start3A_445 = tpu.memref_squeeze %dma_start3A_444 : memref<1x64x128xf32, #tpu.memory_space<hbm>> -> memref<64x128xf32, #tpu.memory_space<hbm>>
      %dma_start3A_446 = arith.constant 0 : i32
      %dma_start3A_447 = arith.constant 0 : i32
      %dma_start3A_448 = tpu.memref_slice %arg7[%dma_start3A_432, %dma_start3A_446, %dma_start3A_447] : memref<4x64x128xf32, #tpu.memory_space<vmem>> -> memref<1x64x128xf32, #tpu.memory_space<vmem>>
      %dma_start3A_449 = tpu.memref_squeeze %dma_start3A_448 : memref<1x64x128xf32, #tpu.memory_space<vmem>> -> memref<64x128xf32, #tpu.memory_space<vmem>>
      tpu.enqueue_dma source(%dma_start3A_449 : memref<64x128xf32, #tpu.memory_space<vmem>>) target(%dma_start3A_445 : memref<64x128xf32, #tpu.memory_space<hbm>>) target_semaphore(%dma_start3A_442 : memref<!tpu.dma_semaphore, #tpu.memory_space<semaphore_mem>>)
      %mul3A_450 = arith.constant 4 : i32
      %mul3A_451 = arith.muli %mul3A_450, %scan3A_135 : i32
      %add3A_452 = arith.constant 3 : i32
      %add3A_453 = arith.addi %mul3A_451, %add3A_452 : i32
      %add3A_454 = arith.constant 3 : i32
      %add3A_455 = arith.addi %add3A_453, %add3A_454 : i32
      %lt3A_456 = arith.constant 200 : i32
      %lt3A_457 = arith.cmpi slt, %add3A_455, %lt3A_456 : i32
      %convert_element_type3A_458 = arith.extui %lt3A_457 : i1 to i32
      %cond3A_459 = arith.constant 0 : i32
      %cond3A_460 = arith.cmpi ne, %convert_element_type3A_458, %cond3A_459 : i32
      scf.if %cond3A_460 {
        %add3A_559 = arith.constant 3 : i32
        %add3A_560 = arith.addi %add3A_453, %add3A_559 : i32
        %jit3A_561 = arith.constant 50 : i32
        %div3A_562 = arith.divsi %add3A_560, %jit3A_561 : i32
        %sign3A_563 = arith.constant 0 : i32
        %sign3A_564 = arith.cmpi sgt, %add3A_560, %sign3A_563 : i32
        %sign3A_565 = arith.extui %sign3A_564 : i1 to i32
        %sign3A_566 = arith.constant 0 : i32
        %sign3A_567 = arith.cmpi slt, %add3A_560, %sign3A_566 : i32
        %sign3A_568 = arith.extui %sign3A_567 : i1 to i32
        %sign3A_569 = arith.subi %sign3A_565, %sign3A_568 : i32
        %sign3A_570 = arith.constant 0 : i32
        %sign3A_571 = arith.cmpi sgt, %jit3A_561, %sign3A_570 : i32
        %sign3A_572 = arith.extui %sign3A_571 : i1 to i32
        %sign3A_573 = arith.constant 0 : i32
        %sign3A_574 = arith.cmpi slt, %jit3A_561, %sign3A_573 : i32
        %sign3A_575 = arith.extui %sign3A_574 : i1 to i32
        %sign3A_576 = arith.subi %sign3A_572, %sign3A_575 : i32
        %ne3A_577 = arith.cmpi ne, %sign3A_569, %sign3A_576 : i32
        %rem3A_578 = arith.remsi %add3A_560, %jit3A_561 : i32
        %ne3A_579 = arith.constant 0 : i32
        %ne3A_580 = arith.cmpi ne, %rem3A_578, %ne3A_579 : i32
        %and3A_581 = arith.andi %ne3A_577, %ne3A_580 : i1
        %sub3A_582 = arith.constant 1 : i32
        %sub3A_583 = arith.subi %div3A_562, %sub3A_582 : i32
        %select_n3A_584 = arith.select %and3A_581, %sub3A_583, %div3A_562 : i32
        %mul3A_585 = arith.constant 50 : i32
        %mul3A_586 = arith.muli %mul3A_585, %select_n3A_584 : i32
        %sub3A_587 = arith.subi %add3A_560, %mul3A_586 : i32
        %mul3A_588 = arith.constant 128 : i32
        %mul3A_589 = arith.muli %mul3A_588, %select_n3A_584 : i32
        %dma_start3A_590 = arith.constant 2 : i32
        %dma_start3A_591 = arith.constant 2 : i32
        %dma_start3A_592 = arith.constant 0 : i32
        %dma_start3A_593 = arith.constant 0 : i32
        %dma_start3A_594 = tpu.memref_slice %arg6[%dma_start3A_590, %dma_start3A_592, %dma_start3A_593] : memref<4x128x128xf32, #tpu.memory_space<vmem>> -> memref<1x128x128xf32, #tpu.memory_space<vmem>>
        %dma_start3A_595 = tpu.memref_squeeze %dma_start3A_594 : memref<1x128x128xf32, #tpu.memory_space<vmem>> -> memref<128x128xf32, #tpu.memory_space<vmem>>
        %dma_start3A_596 = tpu.memref_slice %arg5[%sub3A_587, %mul3A_589] : memref<56x512xi32, #tpu.memory_space<vmem>> -> memref<1x128xi32, #tpu.memory_space<vmem>>
        %dma_start3A_597 = tpu.memref_squeeze %dma_start3A_596 : memref<1x128xi32, #tpu.memory_space<vmem>> -> memref<128xi32, #tpu.memory_space<vmem>>
        %dma_start3A_598 = arith.constant 0 : i32
        %dma_start3A_599 = arith.constant 0 : i32
        %dma_start3A_600 = tpu.memref_slice %arg3[%dma_start3A_598, %dma_start3A_599] : memref<1000000x128xf32, #tpu.memory_space<hbm>> -> memref<1000000x128xf32, #tpu.memory_space<hbm>>
        %dma_start3A_601 = tpu.memref_slice %arg8[%dma_start3A_591] : memref<4x!tpu.dma_semaphore, #tpu.memory_space<semaphore_mem>> -> memref<1x!tpu.dma_semaphore, #tpu.memory_space<semaphore_mem>>
        %dma_start3A_602 = tpu.memref_squeeze %dma_start3A_601 : memref<1x!tpu.dma_semaphore, #tpu.memory_space<semaphore_mem>> -> memref<!tpu.dma_semaphore, #tpu.memory_space<semaphore_mem>>
        tpu.enqueue_indirect_dma source(%dma_start3A_600 : memref<1000000x128xf32, #tpu.memory_space<hbm>>) target(%dma_start3A_595 : memref<128x128xf32, #tpu.memory_space<vmem>>) offsets(%dma_start3A_597 : memref<128xi32, #tpu.memory_space<vmem>>) semaphore(%dma_start3A_602 : memref<!tpu.dma_semaphore, #tpu.memory_space<semaphore_mem>>)
      } else {
      }
      %jit3A_461 = arith.constant 50 : i32
      %div3A_462 = arith.divsi %add3A_453, %jit3A_461 : i32
      %sign3A_463 = arith.constant 0 : i32
      %sign3A_464 = arith.cmpi sgt, %add3A_453, %sign3A_463 : i32
      %sign3A_465 = arith.extui %sign3A_464 : i1 to i32
      %sign3A_466 = arith.constant 0 : i32
      %sign3A_467 = arith.cmpi slt, %add3A_453, %sign3A_466 : i32
      %sign3A_468 = arith.extui %sign3A_467 : i1 to i32
      %sign3A_469 = arith.subi %sign3A_465, %sign3A_468 : i32
      %sign3A_470 = arith.constant 0 : i32
      %sign3A_471 = arith.cmpi sgt, %jit3A_461, %sign3A_470 : i32
      %sign3A_472 = arith.extui %sign3A_471 : i1 to i32
      %sign3A_473 = arith.constant 0 : i32
      %sign3A_474 = arith.cmpi slt, %jit3A_461, %sign3A_473 : i32
      %sign3A_475 = arith.extui %sign3A_474 : i1 to i32
      %sign3A_476 = arith.subi %sign3A_472, %sign3A_475 : i32
      %ne3A_477 = arith.cmpi ne, %sign3A_469, %sign3A_476 : i32
      %rem3A_478 = arith.remsi %add3A_453, %jit3A_461 : i32
      %ne3A_479 = arith.constant 0 : i32
      %ne3A_480 = arith.cmpi ne, %rem3A_478, %ne3A_479 : i32
      %and3A_481 = arith.andi %ne3A_477, %ne3A_480 : i1
      %sub3A_482 = arith.constant 1 : i32
      %sub3A_483 = arith.subi %div3A_462, %sub3A_482 : i32
      %select_n3A_484 = arith.select %and3A_481, %sub3A_483, %div3A_462 : i32
      %mul3A_485 = arith.constant 50 : i32
      %mul3A_486 = arith.muli %mul3A_485, %select_n3A_484 : i32
      %sub3A_487 = arith.subi %add3A_453, %mul3A_486 : i32
      %mul3A_488 = arith.constant 128 : i32
      %mul3A_489 = arith.muli %mul3A_488, %select_n3A_484 : i32
      %dma_wait3A_490 = arith.constant 3 : i32
      %dma_wait3A_491 = arith.constant 3 : i32
      %dma_wait3A_492 = arith.constant 0 : i32
      %dma_wait3A_493 = arith.constant 0 : i32
      %dma_wait3A_494 = tpu.memref_slice %arg6[%dma_wait3A_490, %dma_wait3A_492, %dma_wait3A_493] : memref<4x128x128xf32, #tpu.memory_space<vmem>> -> memref<1x128x128xf32, #tpu.memory_space<vmem>>
      %dma_wait3A_495 = tpu.memref_squeeze %dma_wait3A_494 : memref<1x128x128xf32, #tpu.memory_space<vmem>> -> memref<128x128xf32, #tpu.memory_space<vmem>>
      %dma_wait3A_496 = tpu.memref_slice %arg5[%sub3A_487, %mul3A_489] : memref<56x512xi32, #tpu.memory_space<vmem>> -> memref<1x128xi32, #tpu.memory_space<vmem>>
      %dma_wait3A_497 = tpu.memref_squeeze %dma_wait3A_496 : memref<1x128xi32, #tpu.memory_space<vmem>> -> memref<128xi32, #tpu.memory_space<vmem>>
      %dma_wait3A_498 = arith.constant 0 : i32
      %dma_wait3A_499 = arith.constant 0 : i32
      %dma_wait3A_500 = tpu.memref_slice %arg3[%dma_wait3A_498, %dma_wait3A_499] : memref<1000000x128xf32, #tpu.memory_space<hbm>> -> memref<1000000x128xf32, #tpu.memory_space<hbm>>
      %dma_wait3A_501 = tpu.memref_slice %arg8[%dma_wait3A_491] : memref<4x!tpu.dma_semaphore, #tpu.memory_space<semaphore_mem>> -> memref<1x!tpu.dma_semaphore, #tpu.memory_space<semaphore_mem>>
      %dma_wait3A_502 = tpu.memref_squeeze %dma_wait3A_501 : memref<1x!tpu.dma_semaphore, #tpu.memory_space<semaphore_mem>> -> memref<!tpu.dma_semaphore, #tpu.memory_space<semaphore_mem>>
      tpu.wait_indirect_dma semaphore(%dma_wait3A_502 : memref<!tpu.dma_semaphore, #tpu.memory_space<semaphore_mem>>) src(%dma_wait3A_500 : memref<1000000x128xf32, #tpu.memory_space<hbm>>) dst(%dma_wait3A_495 : memref<128x128xf32, #tpu.memory_space<vmem>>)
      %ge3A_503 = arith.constant 4 : i32
      %ge3A_504 = arith.cmpi sge, %add3A_453, %ge3A_503 : i32
      %convert_element_type3A_505 = arith.extui %ge3A_504 : i1 to i32
      %cond3A_506 = arith.constant 0 : i32
      %cond3A_507 = arith.cmpi ne, %convert_element_type3A_505, %cond3A_506 : i32
      scf.if %cond3A_507 {
        %jit3A_559 = arith.constant 50 : i32
        %div3A_560 = arith.divsi %add3A_453, %jit3A_559 : i32
        %sign3A_561 = arith.constant 0 : i32
        %sign3A_562 = arith.cmpi sgt, %add3A_453, %sign3A_561 : i32
        %sign3A_563 = arith.extui %sign3A_562 : i1 to i32
        %sign3A_564 = arith.constant 0 : i32
        %sign3A_565 = arith.cmpi slt, %add3A_453, %sign3A_564 : i32
        %sign3A_566 = arith.extui %sign3A_565 : i1 to i32
        %sign3A_567 = arith.subi %sign3A_563, %sign3A_566 : i32
        %sign3A_568 = arith.constant 0 : i32
        %sign3A_569 = arith.cmpi sgt, %jit3A_559, %sign3A_568 : i32
        %sign3A_570 = arith.extui %sign3A_569 : i1 to i32
        %sign3A_571 = arith.constant 0 : i32
        %sign3A_572 = arith.cmpi slt, %jit3A_559, %sign3A_571 : i32
        %sign3A_573 = arith.extui %sign3A_572 : i1 to i32
        %sign3A_574 = arith.subi %sign3A_570, %sign3A_573 : i32
        %ne3A_575 = arith.cmpi ne, %sign3A_567, %sign3A_574 : i32
        %rem3A_576 = arith.remsi %add3A_453, %jit3A_559 : i32
        %ne3A_577 = arith.constant 0 : i32
        %ne3A_578 = arith.cmpi ne, %rem3A_576, %ne3A_577 : i32
        %and3A_579 = arith.andi %ne3A_575, %ne3A_578 : i1
        %sub3A_580 = arith.constant 1 : i32
        %sub3A_581 = arith.subi %div3A_560, %sub3A_580 : i32
        %select_n3A_582 = arith.select %and3A_579, %sub3A_581, %div3A_560 : i32
        %mul3A_583 = arith.constant 50 : i32
        %mul3A_584 = arith.muli %mul3A_583, %select_n3A_582 : i32
        %sub3A_585 = arith.subi %add3A_453, %mul3A_584 : i32
        %mul3A_586 = arith.constant 128 : i32
        %mul3A_587 = arith.muli %mul3A_586, %select_n3A_582 : i32
        %add3A_588 = arith.addi %mul3A_2, %mul3A_587 : i32
        %dma_wait3A_589 = arith.constant 3 : i32
        %dma_wait3A_590 = arith.constant 3 : i32
        %dma_wait3A_591 = arith.constant 0 : i32
        %dma_wait3A_592 = arith.constant 0 : i32
        %dma_wait3A_593 = tpu.memref_slice %arg7[%dma_wait3A_589, %dma_wait3A_591, %dma_wait3A_592] : memref<4x64x128xf32, #tpu.memory_space<vmem>> -> memref<1x64x128xf32, #tpu.memory_space<vmem>>
        %dma_wait3A_594 = tpu.memref_squeeze %dma_wait3A_593 : memref<1x64x128xf32, #tpu.memory_space<vmem>> -> memref<64x128xf32, #tpu.memory_space<vmem>>
        %dma_wait3A_595 = arith.constant 0 : i32
        %dma_wait3A_596 = tpu.memref_slice %arg4[%sub3A_585, %dma_wait3A_595, %add3A_588] : memref<50x64x16384xf32, #tpu.memory_space<hbm>> -> memref<1x64x128xf32, #tpu.memory_space<hbm>>
        %dma_wait3A_597 = tpu.memref_squeeze %dma_wait3A_596 : memref<1x64x128xf32, #tpu.memory_space<hbm>> -> memref<64x128xf32, #tpu.memory_space<hbm>>
        %dma_wait3A_598 = tpu.memref_slice %arg9[%dma_wait3A_590] : memref<4x!tpu.dma_semaphore, #tpu.memory_space<semaphore_mem>> -> memref<1x!tpu.dma_semaphore, #tpu.memory_space<semaphore_mem>>
        %dma_wait3A_599 = tpu.memref_squeeze %dma_wait3A_598 : memref<1x!tpu.dma_semaphore, #tpu.memory_space<semaphore_mem>> -> memref<!tpu.dma_semaphore, #tpu.memory_space<semaphore_mem>>
        %dma_wait3A_600 = arith.constant 0 : i32
        %dma_wait3A_601 = tpu.memref_slice %arg4[%sub3A_585, %dma_wait3A_600, %add3A_588] : memref<50x64x16384xf32, #tpu.memory_space<hbm>> -> memref<1x64x128xf32, #tpu.memory_space<hbm>>
        %dma_wait3A_602 = tpu.memref_squeeze %dma_wait3A_601 : memref<1x64x128xf32, #tpu.memory_space<hbm>> -> memref<64x128xf32, #tpu.memory_space<hbm>>
        %dma_wait3A_603 = arith.constant 0 : i32
        %dma_wait3A_604 = arith.constant 0 : i32
        %dma_wait3A_605 = tpu.memref_slice %arg7[%dma_wait3A_589, %dma_wait3A_603, %dma_wait3A_604] : memref<4x64x128xf32, #tpu.memory_space<vmem>> -> memref<1x64x128xf32, #tpu.memory_space<vmem>>
        %dma_wait3A_606 = tpu.memref_squeeze %dma_wait3A_605 : memref<1x64x128xf32, #tpu.memory_space<vmem>> -> memref<64x128xf32, #tpu.memory_space<vmem>>
        tpu.wait_dma2 semaphore(%dma_wait3A_599 : memref<!tpu.dma_semaphore, #tpu.memory_space<semaphore_mem>>) src(%dma_wait3A_606 : memref<64x128xf32, #tpu.memory_space<vmem>>) dst(%dma_wait3A_602 : memref<64x128xf32, #tpu.memory_space<hbm>>)
      } else {
      }
      %parallel_loop3A_508 = arith.constant 0 : i32
      %parallel_loop3A_509 = arith.constant 512 : i32
      %parallel_loop3A_510 = arith.constant 1 : i32
      scf.for %parallel_loop3A_559 = %parallel_loop3A_508 to %parallel_loop3A_509 step %parallel_loop3A_510  : i32 {
        %parallel_loop3A_560 = arith.constant 64 : i32
        %parallel_loop3A_561 = arith.divsi %parallel_loop3A_559, %parallel_loop3A_560 : i32
        %parallel_loop3A_562 = arith.constant 0 : i32
        %parallel_loop3A_563 = arith.cmpi sgt, %parallel_loop3A_559, %parallel_loop3A_562 : i32
        %parallel_loop3A_564 = arith.extui %parallel_loop3A_563 : i1 to i32
        %parallel_loop3A_565 = arith.constant 0 : i32
        %parallel_loop3A_566 = arith.cmpi slt, %parallel_loop3A_559, %parallel_loop3A_565 : i32
        %parallel_loop3A_567 = arith.extui %parallel_loop3A_566 : i1 to i32
        %parallel_loop3A_568 = arith.subi %parallel_loop3A_564, %parallel_loop3A_567 : i32
        %parallel_loop3A_569 = arith.constant 0 : i32
        %parallel_loop3A_570 = arith.cmpi sgt, %parallel_loop3A_560, %parallel_loop3A_569 : i32
        %parallel_loop3A_571 = arith.extui %parallel_loop3A_570 : i1 to i32
        %parallel_loop3A_572 = arith.constant 0 : i32
        %parallel_loop3A_573 = arith.cmpi slt, %parallel_loop3A_560, %parallel_loop3A_572 : i32
        %parallel_loop3A_574 = arith.extui %parallel_loop3A_573 : i1 to i32
        %parallel_loop3A_575 = arith.subi %parallel_loop3A_571, %parallel_loop3A_574 : i32
        %parallel_loop3A_576 = arith.cmpi ne, %parallel_loop3A_568, %parallel_loop3A_575 : i32
        %parallel_loop3A_577 = arith.remsi %parallel_loop3A_559, %parallel_loop3A_560 : i32
        %parallel_loop3A_578 = arith.constant 0 : i32
        %parallel_loop3A_579 = arith.cmpi ne, %parallel_loop3A_577, %parallel_loop3A_578 : i32
        %parallel_loop3A_580 = arith.andi %parallel_loop3A_576, %parallel_loop3A_579 : i1
        %parallel_loop3A_581 = arith.constant 1 : i32
        %parallel_loop3A_582 = arith.subi %parallel_loop3A_561, %parallel_loop3A_581 : i32
        %parallel_loop3A_583 = arith.select %parallel_loop3A_580, %parallel_loop3A_582, %parallel_loop3A_561 : i32
        %parallel_loop3A_584 = arith.constant 64 : i32
        %parallel_loop3A_585 = arith.muli %parallel_loop3A_584, %parallel_loop3A_583 : i32
        %parallel_loop3A_586 = arith.subi %parallel_loop3A_559, %parallel_loop3A_585 : i32
        %parallel_loop3A_587 = arith.constant 16 : i32
        %parallel_loop3A_588 = arith.muli %parallel_loop3A_587, %parallel_loop3A_583 : i32
        %parallel_loop3A_589 = vector.broadcast %parallel_loop3A_588 : i32 to vector<16xi32>
        %parallel_loop3A_590 = arith.addi %iota3A, %parallel_loop3A_589 : vector<16xi32>
        %parallel_loop3A_591 = vector.broadcast %parallel_loop3A_586 : i32 to vector<16xi32>
        %parallel_loop3A_592 = arith.constant 3 : i32
        %parallel_loop3A_593 = arith.constant 0 : i32
        %parallel_loop3A_594 = arith.constant 0 : i32
        %parallel_loop3A_595 = tpu.memref_slice %arg6[%parallel_loop3A_592, %parallel_loop3A_593, %parallel_loop3A_594] : memref<4x128x128xf32, #tpu.memory_space<vmem>> -> memref<1x128x128xf32, #tpu.memory_space<vmem>>
        %parallel_loop3A_596 = tpu.memref_squeeze %parallel_loop3A_595 : memref<1x128x128xf32, #tpu.memory_space<vmem>> -> memref<128x128xf32, #tpu.memory_space<vmem>>
        %parallel_loop3A_597 = tpu.vector_load_idx %parallel_loop3A_596[%parallel_loop3A_590, %parallel_loop3A_591] : memref<128x128xf32, #tpu.memory_space<vmem>>[vector<16xi32>, vector<16xi32>], vector<16xf32>,
        %parallel_loop3A_598 = arith.constant 16 : i32
        %parallel_loop3A_599 = arith.muli %parallel_loop3A_598, %parallel_loop3A_583 : i32
        %parallel_loop3A_600 = arith.constant 3 : i32
        %parallel_loop3A_601 = arith.index_cast %parallel_loop3A_600 : i32 to index
        %parallel_loop3A_602 = arith.index_cast %parallel_loop3A_586 : i32 to index
        %parallel_loop3A_603 = arith.index_cast %parallel_loop3A_599 : i32 to index
        %parallel_loop3A_604 = tpu.vector_load %arg7[%parallel_loop3A_601, %parallel_loop3A_602, %parallel_loop3A_603] {strides = array<i32>} : memref<4x64x128xf32, #tpu.memory_space<vmem>>, vector<16xf32>,
        tpu.vector_store %arg7[%parallel_loop3A_601, %parallel_loop3A_602, %parallel_loop3A_603], %parallel_loop3A_597 {strides = array<i32>} : memref<4x64x128xf32, #tpu.memory_space<vmem>>, vector<16xf32>,
      } {sc.loop_unroll_factor = 16 : i64, sc.parallel_access}
      %jit3A_511 = arith.constant 50 : i32
      %div3A_512 = arith.divsi %add3A_453, %jit3A_511 : i32
      %sign3A_513 = arith.constant 0 : i32
      %sign3A_514 = arith.cmpi sgt, %add3A_453, %sign3A_513 : i32
      %sign3A_515 = arith.extui %sign3A_514 : i1 to i32
      %sign3A_516 = arith.constant 0 : i32
      %sign3A_517 = arith.cmpi slt, %add3A_453, %sign3A_516 : i32
      %sign3A_518 = arith.extui %sign3A_517 : i1 to i32
      %sign3A_519 = arith.subi %sign3A_515, %sign3A_518 : i32
      %sign3A_520 = arith.constant 0 : i32
      %sign3A_521 = arith.cmpi sgt, %jit3A_511, %sign3A_520 : i32
      %sign3A_522 = arith.extui %sign3A_521 : i1 to i32
      %sign3A_523 = arith.constant 0 : i32
      %sign3A_524 = arith.cmpi slt, %jit3A_511, %sign3A_523 : i32
      %sign3A_525 = arith.extui %sign3A_524 : i1 to i32
      %sign3A_526 = arith.subi %sign3A_522, %sign3A_525 : i32
      %ne3A_527 = arith.cmpi ne, %sign3A_519, %sign3A_526 : i32
      %rem3A_528 = arith.remsi %add3A_453, %jit3A_511 : i32
      %ne3A_529 = arith.constant 0 : i32
      %ne3A_530 = arith.cmpi ne, %rem3A_528, %ne3A_529 : i32
      %and3A_531 = arith.andi %ne3A_527, %ne3A_530 : i1
      %sub3A_532 = arith.constant 1 : i32
      %sub3A_533 = arith.subi %div3A_512, %sub3A_532 : i32
      %select_n3A_534 = arith.select %and3A_531, %sub3A_533, %div3A_512 : i32
      %mul3A_535 = arith.constant 50 : i32
      %mul3A_536 = arith.muli %mul3A_535, %select_n3A_534 : i32
      %sub3A_537 = arith.subi %add3A_453, %mul3A_536 : i32
      %mul3A_538 = arith.constant 128 : i32
      %mul3A_539 = arith.muli %mul3A_538, %select_n3A_534 : i32
      %add3A_540 = arith.addi %mul3A_2, %mul3A_539 : i32
      %dma_start3A_541 = arith.constant 3 : i32
      %dma_start3A_542 = arith.constant 3 : i32
      %dma_start3A_543 = arith.constant 0 : i32
      %dma_start3A_544 = arith.constant 0 : i32
      %dma_start3A_545 = tpu.memref_slice %arg7[%dma_start3A_541, %dma_start3A_543, %dma_start3A_544] : memref<4x64x128xf32, #tpu.memory_space<vmem>> -> memref<1x64x128xf32, #tpu.memory_space<vmem>>
      %dma_start3A_546 = tpu.memref_squeeze %dma_start3A_545 : memref<1x64x128xf32, #tpu.memory_space<vmem>> -> memref<64x128xf32, #tpu.memory_space<vmem>>
      %dma_start3A_547 = arith.constant 0 : i32
      %dma_start3A_548 = tpu.memref_slice %arg4[%sub3A_537, %dma_start3A_547, %add3A_540] : memref<50x64x16384xf32, #tpu.memory_space<hbm>> -> memref<1x64x128xf32, #tpu.memory_space<hbm>>
      %dma_start3A_549 = tpu.memref_squeeze %dma_start3A_548 : memref<1x64x128xf32, #tpu.memory_space<hbm>> -> memref<64x128xf32, #tpu.memory_space<hbm>>
      %dma_start3A_550 = tpu.memref_slice %arg9[%dma_start3A_542] : memref<4x!tpu.dma_semaphore, #tpu.memory_space<semaphore_mem>> -> memref<1x!tpu.dma_semaphore, #tpu.memory_space<semaphore_mem>>
      %dma_start3A_551 = tpu.memref_squeeze %dma_start3A_550 : memref<1x!tpu.dma_semaphore, #tpu.memory_space<semaphore_mem>> -> memref<!tpu.dma_semaphore, #tpu.memory_space<semaphore_mem>>
      %dma_start3A_552 = arith.constant 0 : i32
      %dma_start3A_553 = tpu.memref_slice %arg4[%sub3A_537, %dma_start3A_552, %add3A_540] : memref<50x64x16384xf32, #tpu.memory_space<hbm>> -> memref<1x64x128xf32, #tpu.memory_space<hbm>>
      %dma_start3A_554 = tpu.memref_squeeze %dma_start3A_553 : memref<1x64x128xf32, #tpu.memory_space<hbm>> -> memref<64x128xf32, #tpu.memory_space<hbm>>
      %dma_start3A_555 = arith.constant 0 : i32
      %dma_start3A_556 = arith.constant 0 : i32
      %dma_start3A_557 = tpu.memref_slice %arg7[%dma_start3A_541, %dma_start3A_555, %dma_start3A_556] : memref<4x64x128xf32, #tpu.memory_space<vmem>> -> memref<1x64x128xf32, #tpu.memory_space<vmem>>
      %dma_start3A_558 = tpu.memref_squeeze %dma_start3A_557 : memref<1x64x128xf32, #tpu.memory_space<vmem>> -> memref<64x128xf32, #tpu.memory_space<vmem>>
      tpu.enqueue_dma source(%dma_start3A_558 : memref<64x128xf32, #tpu.memory_space<vmem>>) target(%dma_start3A_554 : memref<64x128xf32, #tpu.memory_space<hbm>>) target_semaphore(%dma_start3A_551 : memref<!tpu.dma_semaphore, #tpu.memory_space<semaphore_mem>>)
    }
    %scan3A_51 = arith.constant 50 : i32
    %add3A_52 = arith.constant 384 : i32
    %add3A_53 = arith.addi %mul3A_2, %add3A_52 : i32
    %dma_wait3A = arith.constant 0 : i32
    %dma_wait3A_54 = arith.constant 46 : i32
    %dma_wait3A_55 = arith.constant 0 : i32
    %dma_wait3A_56 = arith.constant 0 : i32
    %dma_wait3A_57 = arith.constant 0 : i32
    %dma_wait3A_58 = tpu.memref_slice %arg7[%dma_wait3A, %dma_wait3A_56, %dma_wait3A_57] : memref<4x64x128xf32, #tpu.memory_space<vmem>> -> memref<1x64x128xf32, #tpu.memory_space<vmem>>
    %dma_wait3A_59 = tpu.memref_squeeze %dma_wait3A_58 : memref<1x64x128xf32, #tpu.memory_space<vmem>> -> memref<64x128xf32, #tpu.memory_space<vmem>>
    %dma_wait3A_60 = arith.constant 0 : i32
    %dma_wait3A_61 = tpu.memref_slice %arg4[%dma_wait3A_54, %dma_wait3A_60, %add3A_53] : memref<50x64x16384xf32, #tpu.memory_space<hbm>> -> memref<1x64x128xf32, #tpu.memory_space<hbm>>
    %dma_wait3A_62 = tpu.memref_squeeze %dma_wait3A_61 : memref<1x64x128xf32, #tpu.memory_space<hbm>> -> memref<64x128xf32, #tpu.memory_space<hbm>>
    %dma_wait3A_63 = tpu.memref_slice %arg9[%dma_wait3A_55] : memref<4x!tpu.dma_semaphore, #tpu.memory_space<semaphore_mem>> -> memref<1x!tpu.dma_semaphore, #tpu.memory_space<semaphore_mem>>
    %dma_wait3A_64 = tpu.memref_squeeze %dma_wait3A_63 : memref<1x!tpu.dma_semaphore, #tpu.memory_space<semaphore_mem>> -> memref<!tpu.dma_semaphore, #tpu.memory_space<semaphore_mem>>
    %dma_wait3A_65 = arith.constant 0 : i32
    %dma_wait3A_66 = tpu.memref_slice %arg4[%dma_wait3A_54, %dma_wait3A_65, %add3A_53] : memref<50x64x16384xf32, #tpu.memory_space<hbm>> -> memref<1x64x128xf32, #tpu.memory_space<hbm>>
    %dma_wait3A_67 = tpu.memref_squeeze %dma_wait3A_66 : memref<1x64x128xf32, #tpu.memory_space<hbm>> -> memref<64x128xf32, #tpu.memory_space<hbm>>
    %dma_wait3A_68 = arith.constant 0 : i32
    %dma_wait3A_69 = arith.constant 0 : i32
    %dma_wait3A_70 = tpu.memref_slice %arg7[%dma_wait3A, %dma_wait3A_68, %dma_wait3A_69] : memref<4x64x128xf32, #tpu.memory_space<vmem>> -> memref<1x64x128xf32, #tpu.memory_space<vmem>>
    %dma_wait3A_71 = tpu.memref_squeeze %dma_wait3A_70 : memref<1x64x128xf32, #tpu.memory_space<vmem>> -> memref<64x128xf32, #tpu.memory_space<vmem>>
    tpu.wait_dma2 semaphore(%dma_wait3A_64 : memref<!tpu.dma_semaphore, #tpu.memory_space<semaphore_mem>>) src(%dma_wait3A_71 : memref<64x128xf32, #tpu.memory_space<vmem>>) dst(%dma_wait3A_67 : memref<64x128xf32, #tpu.memory_space<hbm>>)
    %add3A_72 = arith.constant 384 : i32
    %add3A_73 = arith.addi %mul3A_2, %add3A_72 : i32
    %dma_wait3A_74 = arith.constant 1 : i32
    %dma_wait3A_75 = arith.constant 47 : i32
    %dma_wait3A_76 = arith.constant 1 : i32
    %dma_wait3A_77 = arith.constant 0 : i32
    %dma_wait3A_78 = arith.constant 0 : i32
    %dma_wait3A_79 = tpu.memref_slice %arg7[%dma_wait3A_74, %dma_wait3A_77, %dma_wait3A_78] : memref<4x64x128xf32, #tpu.memory_space<vmem>> -> memref<1x64x128xf32, #tpu.memory_space<vmem>>
    %dma_wait3A_80 = tpu.memref_squeeze %dma_wait3A_79 : memref<1x64x128xf32, #tpu.memory_space<vmem>> -> memref<64x128xf32, #tpu.memory_space<vmem>>
    %dma_wait3A_81 = arith.constant 0 : i32
    %dma_wait3A_82 = tpu.memref_slice %arg4[%dma_wait3A_75, %dma_wait3A_81, %add3A_73] : memref<50x64x16384xf32, #tpu.memory_space<hbm>> -> memref<1x64x128xf32, #tpu.memory_space<hbm>>
    %dma_wait3A_83 = tpu.memref_squeeze %dma_wait3A_82 : memref<1x64x128xf32, #tpu.memory_space<hbm>> -> memref<64x128xf32, #tpu.memory_space<hbm>>
    %dma_wait3A_84 = tpu.memref_slice %arg9[%dma_wait3A_76] : memref<4x!tpu.dma_semaphore, #tpu.memory_space<semaphore_mem>> -> memref<1x!tpu.dma_semaphore, #tpu.memory_space<semaphore_mem>>
    %dma_wait3A_85 = tpu.memref_squeeze %dma_wait3A_84 : memref<1x!tpu.dma_semaphore, #tpu.memory_space<semaphore_mem>> -> memref<!tpu.dma_semaphore, #tpu.memory_space<semaphore_mem>>
    %dma_wait3A_86 = arith.constant 0 : i32
    %dma_wait3A_87 = tpu.memref_slice %arg4[%dma_wait3A_75, %dma_wait3A_86, %add3A_73] : memref<50x64x16384xf32, #tpu.memory_space<hbm>> -> memref<1x64x128xf32, #tpu.memory_space<hbm>>
    %dma_wait3A_88 = tpu.memref_squeeze %dma_wait3A_87 : memref<1x64x128xf32, #tpu.memory_space<hbm>> -> memref<64x128xf32, #tpu.memory_space<hbm>>
    %dma_wait3A_89 = arith.constant 0 : i32
    %dma_wait3A_90 = arith.constant 0 : i32
    %dma_wait3A_91 = tpu.memref_slice %arg7[%dma_wait3A_74, %dma_wait3A_89, %dma_wait3A_90] : memref<4x64x128xf32, #tpu.memory_space<vmem>> -> memref<1x64x128xf32, #tpu.memory_space<vmem>>
    %dma_wait3A_92 = tpu.memref_squeeze %dma_wait3A_91 : memref<1x64x128xf32, #tpu.memory_space<vmem>> -> memref<64x128xf32, #tpu.memory_space<vmem>>
    tpu.wait_dma2 semaphore(%dma_wait3A_85 : memref<!tpu.dma_semaphore, #tpu.memory_space<semaphore_mem>>) src(%dma_wait3A_92 : memref<64x128xf32, #tpu.memory_space<vmem>>) dst(%dma_wait3A_88 : memref<64x128xf32, #tpu.memory_space<hbm>>)
    %add3A_93 = arith.constant 384 : i32
    %add3A_94 = arith.addi %mul3A_2, %add3A_93 : i32
    %dma_wait3A_95 = arith.constant 2 : i32
    %dma_wait3A_96 = arith.constant 48 : i32
    %dma_wait3A_97 = arith.constant 2 : i32
    %dma_wait3A_98 = arith.constant 0 : i32
    %dma_wait3A_99 = arith.constant 0 : i32
    %dma_wait3A_100 = tpu.memref_slice %arg7[%dma_wait3A_95, %dma_wait3A_98, %dma_wait3A_99] : memref<4x64x128xf32, #tpu.memory_space<vmem>> -> memref<1x64x128xf32, #tpu.memory_space<vmem>>
    %dma_wait3A_101 = tpu.memref_squeeze %dma_wait3A_100 : memref<1x64x128xf32, #tpu.memory_space<vmem>> -> memref<64x128xf32, #tpu.memory_space<vmem>>
    %dma_wait3A_102 = arith.constant 0 : i32
    %dma_wait3A_103 = tpu.memref_slice %arg4[%dma_wait3A_96, %dma_wait3A_102, %add3A_94] : memref<50x64x16384xf32, #tpu.memory_space<hbm>> -> memref<1x64x128xf32, #tpu.memory_space<hbm>>
    %dma_wait3A_104 = tpu.memref_squeeze %dma_wait3A_103 : memref<1x64x128xf32, #tpu.memory_space<hbm>> -> memref<64x128xf32, #tpu.memory_space<hbm>>
    %dma_wait3A_105 = tpu.memref_slice %arg9[%dma_wait3A_97] : memref<4x!tpu.dma_semaphore, #tpu.memory_space<semaphore_mem>> -> memref<1x!tpu.dma_semaphore, #tpu.memory_space<semaphore_mem>>
    %dma_wait3A_106 = tpu.memref_squeeze %dma_wait3A_105 : memref<1x!tpu.dma_semaphore, #tpu.memory_space<semaphore_mem>> -> memref<!tpu.dma_semaphore, #tpu.memory_space<semaphore_mem>>
    %dma_wait3A_107 = arith.constant 0 : i32
    %dma_wait3A_108 = tpu.memref_slice %arg4[%dma_wait3A_96, %dma_wait3A_107, %add3A_94] : memref<50x64x16384xf32, #tpu.memory_space<hbm>> -> memref<1x64x128xf32, #tpu.memory_space<hbm>>
    %dma_wait3A_109 = tpu.memref_squeeze %dma_wait3A_108 : memref<1x64x128xf32, #tpu.memory_space<hbm>> -> memref<64x128xf32, #tpu.memory_space<hbm>>
    %dma_wait3A_110 = arith.constant 0 : i32
    %dma_wait3A_111 = arith.constant 0 : i32
    %dma_wait3A_112 = tpu.memref_slice %arg7[%dma_wait3A_95, %dma_wait3A_110, %dma_wait3A_111] : memref<4x64x128xf32, #tpu.memory_space<vmem>> -> memref<1x64x128xf32, #tpu.memory_space<vmem>>
    %dma_wait3A_113 = tpu.memref_squeeze %dma_wait3A_112 : memref<1x64x128xf32, #tpu.memory_space<vmem>> -> memref<64x128xf32, #tpu.memory_space<vmem>>
    tpu.wait_dma2 semaphore(%dma_wait3A_106 : memref<!tpu.dma_semaphore, #tpu.memory_space<semaphore_mem>>) src(%dma_wait3A_113 : memref<64x128xf32, #tpu.memory_space<vmem>>) dst(%dma_wait3A_109 : memref<64x128xf32, #tpu.memory_space<hbm>>)
    %add3A_114 = arith.constant 384 : i32
    %add3A_115 = arith.addi %mul3A_2, %add3A_114 : i32
    %dma_wait3A_116 = arith.constant 3 : i32
    %dma_wait3A_117 = arith.constant 49 : i32
    %dma_wait3A_118 = arith.constant 3 : i32
    %dma_wait3A_119 = arith.constant 0 : i32
    %dma_wait3A_120 = arith.constant 0 : i32
    %dma_wait3A_121 = tpu.memref_slice %arg7[%dma_wait3A_116, %dma_wait3A_119, %dma_wait3A_120] : memref<4x64x128xf32, #tpu.memory_space<vmem>> -> memref<1x64x128xf32, #tpu.memory_space<vmem>>
    %dma_wait3A_122 = tpu.memref_squeeze %dma_wait3A_121 : memref<1x64x128xf32, #tpu.memory_space<vmem>> -> memref<64x128xf32, #tpu.memory_space<vmem>>
    %dma_wait3A_123 = arith.constant 0 : i32
    %dma_wait3A_124 = tpu.memref_slice %arg4[%dma_wait3A_117, %dma_wait3A_123, %add3A_115] : memref<50x64x16384xf32, #tpu.memory_space<hbm>> -> memref<1x64x128xf32, #tpu.memory_space<hbm>>
    %dma_wait3A_125 = tpu.memref_squeeze %dma_wait3A_124 : memref<1x64x128xf32, #tpu.memory_space<hbm>> -> memref<64x128xf32, #tpu.memory_space<hbm>>
    %dma_wait3A_126 = tpu.memref_slice %arg9[%dma_wait3A_118] : memref<4x!tpu.dma_semaphore, #tpu.memory_space<semaphore_mem>> -> memref<1x!tpu.dma_semaphore, #tpu.memory_space<semaphore_mem>>
    %dma_wait3A_127 = tpu.memref_squeeze %dma_wait3A_126 : memref<1x!tpu.dma_semaphore, #tpu.memory_space<semaphore_mem>> -> memref<!tpu.dma_semaphore, #tpu.memory_space<semaphore_mem>>
    %dma_wait3A_128 = arith.constant 0 : i32
    %dma_wait3A_129 = tpu.memref_slice %arg4[%dma_wait3A_117, %dma_wait3A_128, %add3A_115] : memref<50x64x16384xf32, #tpu.memory_space<hbm>> -> memref<1x64x128xf32, #tpu.memory_space<hbm>>
    %dma_wait3A_130 = tpu.memref_squeeze %dma_wait3A_129 : memref<1x64x128xf32, #tpu.memory_space<hbm>> -> memref<64x128xf32, #tpu.memory_space<hbm>>
    %dma_wait3A_131 = arith.constant 0 : i32
    %dma_wait3A_132 = arith.constant 0 : i32
    %dma_wait3A_133 = tpu.memref_slice %arg7[%dma_wait3A_116, %dma_wait3A_131, %dma_wait3A_132] : memref<4x64x128xf32, #tpu.memory_space<vmem>> -> memref<1x64x128xf32, #tpu.memory_space<vmem>>
    %dma_wait3A_134 = tpu.memref_squeeze %dma_wait3A_133 : memref<1x64x128xf32, #tpu.memory_space<vmem>> -> memref<64x128xf32, #tpu.memory_space<vmem>>
    tpu.wait_dma2 semaphore(%dma_wait3A_127 : memref<!tpu.dma_semaphore, #tpu.memory_space<semaphore_mem>>) src(%dma_wait3A_134 : memref<64x128xf32, #tpu.memory_space<vmem>>) dst(%dma_wait3A_130 : memref<64x128xf32, #tpu.memory_space<hbm>>)
    return
  }
}

</mosaic_0001>

<sc_bundles>
// kernel: kernel.3.cloned.1.call-start
scs
__scs_entry_jumppad:
0x0: {  	(pc) =	sbr.rel $0x88, $3  }
0x1: {  	(tag) =	ssettag $0x0;
	lr =	simm.s32 $0x1  }
0x2: {  	[smem:$0x3F9F] =	sst lr;
	_ =	strace $0xD0000000  }
0x3: {  	_ = 	snop  }
0x4: {  	_ = 	snop  }
0x5: {  	_ = 	snop  }
0x6: {  	_ = 	snop  }
0x7: {  	_ = 	snop  }
__scs_overlays_trampoline_lowered:
0x8: {  	[smem:$0x3FAE] =	sst s0  }
0x9: {  	[smem:$0x3FAF] =	sst s1  }
0xa: {  	[smem:$0x3FB0] =	sst s2  }
0xb: {  	[smem:$0x3FB1] =	sst s3  }
0xc: {  	[smem:$0x3FB2] =	sst s4  }
0xd: {  	[smem:$0x3FB3] =	sst s5  }
0xe: {  	[smem:$0x3FB4] =	sst s6  }
0xf: {  	[smem:$0x3FB5] =	sst s7  }
0x10: {  	[smem:$0x3FB6] =	sst s8  }
0x11: {  	[smem:$0x3FB7] =	sst s9;
	s0 =	simm.s32 @!p0 $0x0  }
0x12: {  	s1 =	sld [smem:$0x3F9D];
	s0 =	simm.s32 @p0 $0x1  }
0x13: {  	[smem:$0x3FB8] =	sst s0;
	s0 =	simm.s32 @!p1 $0x0  }
0x14: {  	s2 =	sld [smem:$0x3F9C];
	s0 =	simm.s32 @p1 $0x1  }
0x15: {  	[smem:$0x3FB9] =	sst s0;
	s0 =	simm.s32 @!p2 $0x0  }
0x16: {  	s3 =	sld [smem:$0x3FDB];
	s0 =	simm.s32 @p2 $0x1  }
0x17: {  	s4 =	simm.s32 $0x1BF5;
	[smem:$0x3FBB] =	sst s0  }
0x18: {  	s0 =	sld [smem:$0x3F9E];
	_ =	swait.ge [sflag:s4], $0x0  }
0x19: {  	s7 =	sld [smem:$0x3F9F]  }
0x1a: {  	s8 =	sadd.s32 $0xFFFFE003, lr  }
0x1b: {  	s9 =	sadd.s32 $0xFFFFFEF7, lr;
	s5 =	simm.s32 $0xFFFFFFFF;
	p2 =	slt.u32 s8, $0xFFFFF086  }
0x1c: {  	p1 =	slt.u32 s9, $0xF7A;
	s5 =	simm.s32 @!p2 $0x0  }
0x1d: {  	s5 =	simm.s32 @p1 $0x1;
	p0 =	seq.s32 s7, s2  }
0x1e: {  	s7 =	smul.u32 @!p0 $0xF7A, s2;
	p2 =	seq.s32 @!p0 s5, $0x0  }
0x1f: {  	s9 =	smul.u32 $0xF7A, s1;
	s8 =	simm.s32 @!p0 $0x1BF5;
	p2 =	por !p2, p0  }
0x20: {  	[sflag:s8] =	ssyncset.s32 @!p0 $0xFFFFF086;
	s6 =	sadd.s32 @!p0 s3, s7;
	s7 =	simm.s32 @!p0 $0x108  }
0x21: {  	s3 =	sadd.s32 s3, s9;
	s6 =	sadd.s32 @!p0 $0x88, s6;
	s7 =	simm.s32 @p2 $0x1082  }
0x22: {  	[simem:s7], [sflag:s8] =	dma.local @!p0 [hbm:s6], $0xF7A  }
0x23: {  	s9 =	sor.u32 $0xD0000000, s2;
	s6 =	simm.s32 $0x108;
	_ =	swait.ge @!p0 [sflag:s8], $0x0  }
0x24: {  	s3 =	sadd.s32 $0x88, s3;
	s6 =	simm.s32 @!p1 $0x1082;
	[sflag:s4] =	ssyncset.s32 $0xFFFFF086  }
0x25: {  	[simem:s6], [sflag:s4] =	dma.local [hbm:s3], $0xF7A  }
0x26: {  	[smem:$0x3F9F] =	sst s1;
	(tag) =	ssettag s2;
	_ =	strace s9  }
0x27: {  	s1 =	sld [smem:$0x3FAF]  }
0x28: {  	s2 =	sld [smem:$0x3FB0]  }
0x29: {  	s4 =	sld [smem:$0x3FB2]  }
0x2a: {  	p0 =	seq.s32 s5, $0x0;
	s5 =	sld [smem:$0x3FB3]  }
0x2b: {  	s6 =	sld [smem:$0x3FB4]  }
0x2c: {  	s7 =	sld [smem:$0x3FB5]  }
0x2d: {  	s3 =	simm.s32 $0x108;
	s8 =	sld [smem:$0x3FB6]  }
0x2e: {  	s3 =	simm.s32 @!p0 $0x1082;
	s9 =	sld [smem:$0x3FB7]  }
0x2f: {  	lr =	sadd.s32 s0, s3;
	s0 =	sld [smem:$0x3FAE]  }
0x30: {  	s3 =	sld [smem:$0x3FB1]  }
0x31: {  	[smem:$0x3FBA] =	sst s10  }
0x32: {  	s10 =	sld [smem:$0x3FB8];
	_ =	sdelay $0x3  }
0x33: {  	p0 =	seq.s32 s10, $0x1;
	s10 =	sld [smem:$0x3FBA];
	_ =	sdelay $0x3  }
0x34: {  	[smem:$0x3FBA] =	sst s10  }
0x35: {  	s10 =	sld [smem:$0x3FB9];
	_ =	sdelay $0x3  }
0x36: {  	p1 =	seq.s32 s10, $0x1;
	s10 =	sld [smem:$0x3FBA];
	_ =	sdelay $0x3  }
0x37: {  	[smem:$0x3FBA] =	sst s10  }
0x38: {  	s10 =	sld [smem:$0x3FBB]  }
0x39: {  	_ = 	snop;
	(pc) =	sbr.ind lr, $3  }
0x3a: {  	_ = 	snop  }
0x3b: {  	_ = 	snop  }
0x3c: {  	p2 =	seq.s32 s10, $0x1;
	s10 =	sld [smem:$0x3FBA]  }
0x3d: {  	_ =	shalt  }
0x3e: {  	_ =	shalt  }
0x3f: {  	_ =	shalt  }
0x40: {  	_ =	shalt  }
0x41: {  	_ =	shalt  }
0x42: {  	_ =	shalt  }
0x43: {  	_ =	shalt  }
0x44: {  	_ =	shalt  }
0x45: {  	_ =	shalt  }
0x46: {  	_ =	shalt  }
0x47: {  	_ =	shalt  }
0x48: {  	_ =	shalt  }
0x49: {  	_ =	shalt  }
0x4a: {  	_ =	shalt  }
0x4b: {  	_ =	shalt  }
0x4c: {  	_ =	shalt  }
0x4d: {  	_ =	shalt  }
0x4e: {  	_ =	shalt  }
0x4f: {  	_ =	shalt  }
0x50: {  	_ =	shalt  }
0x51: {  	_ =	shalt  }
0x52: {  	_ =	shalt  }
0x53: {  	_ =	shalt  }
0x54: {  	_ =	shalt  }
0x55: {  	_ =	shalt  }
0x56: {  	_ =	shalt  }
0x57: {  	_ =	shalt  }
0x58: {  	_ =	shalt  }
0x59: {  	_ =	shalt  }
0x5a: {  	_ =	shalt  }
0x5b: {  	_ =	shalt  }
0x5c: {  	_ =	shalt  }
0x5d: {  	_ =	shalt  }
0x5e: {  	_ =	shalt  }
0x5f: {  	_ =	shalt  }
0x60: {  	_ =	shalt  }
0x61: {  	_ =	shalt  }
0x62: {  	_ =	shalt  }
0x63: {  	_ =	shalt  }
0x64: {  	_ =	shalt  }
0x65: {  	_ =	shalt  }
0x66: {  	_ =	shalt  }
0x67: {  	_ =	shalt  }
0x68: {  	_ =	shalt  }
0x69: {  	_ =	shalt  }
0x6a: {  	_ =	shalt  }
0x6b: {  	_ =	shalt  }
0x6c: {  	_ =	shalt  }
0x6d: {  	_ =	shalt  }
0x6e: {  	_ =	shalt  }
0x6f: {  	_ =	shalt  }
0x70: {  	_ =	shalt  }
0x71: {  	_ =	shalt  }
0x72: {  	_ =	shalt  }
0x73: {  	_ =	shalt  }
0x74: {  	_ =	shalt  }
0x75: {  	_ =	shalt  }
0x76: {  	_ =	shalt  }
0x77: {  	_ =	shalt  }
0x78: {  	_ =	shalt  }
0x79: {  	_ =	shalt  }
0x7a: {  	_ =	shalt  }
0x7b: {  	_ =	shalt  }
0x7c: {  	_ =	shalt  }
0x7d: {  	_ =	shalt  }
0x7e: {  	_ =	shalt  }
0x7f: {  	_ =	shalt  }
0x80: {  	_ =	shalt  }
0x81: {  	_ =	shalt  }
0x82: {  	_ =	shalt  }
0x83: {  	_ =	shalt  }
0x84: {  	_ =	shalt  }
0x85: {  	_ =	shalt  }
0x86: {  	_ =	shalt  }
0x87: {  	_ =	shalt  }
.Lfunc_end0:
.L_simem_size_0:
called_computation_lowered:
.L_overlay_start_0:
0x88: {  	s2 =	sld [smem:$0x3FD9]  }
0x89: {  	s3 =	sld [smem:$0x3FFE];
	_ =	sdelay $0x1  }
0x8a: {  	s1 =	srdreg.scid  }
0x8b: {  	s0 =	sand.u32 $0x1, s1  }
0x8c: {  	s17 =	sshll.u32 s0, $0xA;
	s2 =	sadd.s32 s3, s2  }
0x8d: {  	s2 =	sadd.s32 s2, s17  }
0x8e: {  	[smem:$0x3FC6] =	sst s2  }
0x8f: {  	_ = 	snop  }
0x90: {  	s2 =	sld [smem:$0x3FD0];
	(tm) =	ssettm $0x1  }
0x91: {  	s18 =	sld [smem:$0x3FFB];
	_ =	sdelay $0x3  }
0x92: {  	_ =	strace s18  }
0x93: {  	s3 =	sld [smem:$0x3FFC];
	_ =	sdelay $0x3  }
0x94: {  	_ =	strace s3  }
0x95: {  	s3 =	sld [smem:$0x3FFD];
	_ =	sdelay $0x3  }
0x96: {  	_ =	strace s3  }
0x97: {  	_ =	strace $0x8FFFFFFF  }
0x98: {  	s19 =	sld [smem:$0x3FDB];
	_ =	sdelay $0x1  }
0x99: {  	s4 =	simm.s32 $_scs_section_size  }
0x9a: {  	s5 =	simm.s32 $_size__tile_overlayer_lowered;
	s6 =	simm.s32 $_tile_overlayer_lowered  }
0x9b: {  	s22 =	simm.s32 $0x1BFF;
	s21 =	sshll.u32 s6, $0x1;
	s3 =	sadd.s32 s4, s19  }
0x9c: {  	s7 =	simm.s32 $0x0;
	s20 =	sshll.u32 s5, $0x1;
	s5 =	sadd.s32 s21, s3  }
0x9d: {  	[timem:s7], [sflag:s22] =	dma.local [hbm:s5], s20  }
0x9e: {  	_ =	swait.ge [sflag:s22], s20  }
0x9f: {  	s4 =	ssub.s32 $0x0, s20;
	[sflag:s22] =	ssyncset.done $0x0  }
0xa0: {  	[sflag:s22] =	ssyncadd.s32 s4;
	_ =	sdelay $0x1  }
0xa1: {  	s23 =	simm.s32 $0x1B8B  }
0xa2: {  	_ =	swait.ge [sflag:s23], $0x1  }
0xa3: {  	[sflag:s23] =	ssyncset.done $0x0  }
0xa4: {  	s25 =	simm.s32 $0x1B8E;
	s24 =	sld [smem:$0x3FFE];
	[sflag:s23] =	ssyncadd.s32 $0xFFFFFFFF  }
0xa5: {  	s26 =	simm.s32 $execute0_lowered;
	[smem:$0x3FD2] =	sst s25  }
0xa6: {  	s5 =	sshll.u32 s26, $0x1;
	_ =	strace $0x80000046;
	[dreg:$0x1] =	wrdreg $0xFFFFFFFF  }
0xa7: {  	s28 =	simm.s32 $_size_execute0_lowered;
	s3 =	sadd.s32 s3, s5;
	[dreg:$0x0] =	wrdreg $0x0  }
0xa8: {  	s5 =	sshll.u32 s28, $0x1;
	[dreg:$0x2] =	wrdreg s3  }
0xa9: {  	[dreg:$0x3] =	wrdreg s5  }
0xaa: {  	[dreg:$0x4] =	wrdreg $0xC0  }
0xab: {  	_ =	task [dreg:s7], $0x5FFFF  }
0xac: {  	[dreg:$0x1] =	wrdreg $0xFFFFFFFF  }
0xad: {  	[dreg:$0x0] =	wrdreg $0x60  }
0xae: {  	[dreg:$0x2] =	wrdreg s24  }
0xaf: {  	[dreg:$0x3] =	wrdreg s2  }
0xb0: {  	[dreg:$0x4] =	wrdreg $0x9  }
0xb1: {  	_ =	task.clear_ibuf [dreg:s7], $0x5FFFF;
	_ =	strace $0x90000046  }
0xb2: {  	s29 =	simm.s32 $0x9;
	_ =	strace $0x80000048  }
0xb3: {  	_ =	swait.ge [sflag:s29], $0x1  }
0xb4: {  	[sflag:s29] =	ssyncadd.s32 $0xFFFFFFFF  }
0xb5: {  	_ =	strace $0x90000048  }
0xb6: {  	_ =	sfence  }
0xb7: {  	s30 =	sld [smem:$0x0];
	_ =	sdelay $0x2  }
0xb8: {  	s31 =	sshll.u32 s1, $0xD;
	s1 =	sshrl.u32 s1, $0x2  }
0xb9: {  	s3 =	sand.u32 $0x4000, s31;
	s1 =	sadd.s32 s1, s30  }
0xba: {  	s0 =	sor.u32 s3, s0;
	s1 =	sshll.u32 s1, $0x11  }
0xbb: {  	s0 =	sor.u32 s1, s0  }
0xbc: {  	s0 =	sadd.s32 $0x8F2B, s0  }
0xbd: {  	[sflag:s0] =	ssyncadd.remote.s32 $0x1  }
0xbe: {  	_ =	sfence.sel $0xFFFF  }
0xbf: {  	[dreg:$0x0] =	wrdreg $0xFFFFFFFF;
	(pc) =	sbr.abs _section_cstart, $3  }
0xc0: {  	[dreg:$0x1] =	wrdreg $0xFFFFFFFF  }
0xc1: {  	_ =	task.clear_ibuf [dreg:s7], $0x2FFFF;
	_ =	strace $0x9FFFFFFF  }
0xc2: {  	(tm) =	ssettm $0x7FFFFFFF  }
0xc3: {  	_ =	shalt  }
tec
execute0_lowered:
.L_overlay_start_1:
0x0: {  	(tag) =	ssettag $0x1  }
0x1: {  	s0 =	rddreg [dreg:$0x0]  }
0x2: {  	s31 =	rddreg [dreg:$0x1];
	s1 =	srdreg.scid;
	s3 =	simm.s32 $0x0  }
0x3: {  	s2 =	stileid.u32;
	s12 =	simm.s32 $0x7000;
	s13 =	simm.s32 $0xB000  }
0x4: {  	s15 =	simm.s32 $0xF000;
	s16 =	simm.s32 $0x13000;
	s1 =	sand.u32 $0x1, s1  }
0x5: {  	[smem:$0x7FF] =	sst s3;
	s28 =	sshll.u32 s2, $0xA;
	s4 =	sshll.u32 s1, $0x9  }
0x6: {  	_ =	strace $0x80000047;
	s1 =	ssub.s32 $0x2, s1;
	s3 =	sor.u32 s4, s28  }
0x7: {  	s29 =	sshrl.u32 s1, $0x1;
	s5 =	sadd.s32 s3, s0;
	s0 =	sadd.s32 $0xF42A00, s0  }
0x8: {  	[dreg:$0x3] =	wrdreg s0;
	s0 =	ssub.s32 s1, s29;
	s30 =	sadd.s32 $0x600, s5  }
0x9: {  	v0 =	vlaneseq.u32;
	s2 =	simm.s32 $0x0;
	[dreg:$0x4] =	wrdreg s30;
	s0 =	smax.u32 s0, $0x1  }
0xa: {  	v0 =	vmul.u32 $0x80, v0;
	s4 =	simm.s32 $0x20000;
	s6 =	sshrl.u32 s3, $0x7;
	[dreg:$0x5] =	wrdreg s0  }
.LBB2_1:
0xb: {  	[dreg:$0x6] =	wrdreg s2;
	s0 =	simm.s32 $0x0  }
0xc: {  	s1 =	rddreg [dreg:$0x4];
	s25 =	simm.s32 $0x1000;
	s26 =	simm.s32 $0x9  }
0xd: {  	[tilespmem:s0], [sflag:$0x9] =	stream.strided.gather [hbm4b:s1+s25], $0x7000, s4, s25, $0x38;
	[tilespmem:$0x1F000] =	vst v63  }
0xe: {  	_ =	swait.ge [sflag:s26], $0x7000  }
0xf: {  	[sflag:s26] =	ssyncset.done $0x0  }
0x10: {  	s29 =	simm.s32 $0x80;
	s28 =	rddreg [dreg:$0x3];
	[sflag:s26] =	ssyncadd.s32 $0xFFFF9000  }
0x11: {  	[tilespmem:s12], [sflag:$0x1] =	stream.indirect.gather [hbm4b:s28+s29], $0x80, s0, s29, $0xb8;
	[tilespmem:$0x1F000] =	vst v63  }
0x12: {  	_ = 	snop  }
0x13: {  	[tilespmem:s13], [sflag:$0x2] =	stream.indirect.gather [hbm4b:s28+s29], $0x80, s29, s29, $0xb8;
	[tilespmem:$0x1F000] =	vst v63  }
0x14: {  	s30 =	simm.s32 $0x100;
	s0 =	simm.s32 $0x0  }
0x15: {  	[tilespmem:s15], [sflag:$0x3] =	stream.indirect.gather [hbm4b:s28+s29], $0x80, s30, s29, $0xb8;
	[tilespmem:$0x1F000] =	vst v63  }
.LBB2_2:
0x16: {  	s10 =	simm.s32 $0x0  }
0x17: {  	s1 =	sand.u32 $0xFFFFFFC0, s10;
	s7 =	sand.u32 $0x70, s10  }
0x18: {  	s4 =	smov.u32 s31;
	s3 =	ssub.s32 $0x0, s1;
	s1 =	ssub.s32 $0xFFFFFFF0, s1;
	v1 =	vmov s7  }
0x19: {  	s5 =	sadd.s32 $0x1, s3;
	s8 =	sadd.s32 $0x1F, s1;
	v1 =	vshll.u32 v1, $0x7;
	s14 =	sadd.s32 $0x2, s3  }
0x1a: {  	s25 =	sadd.s32 $0x3, s3;
	s26 =	sadd.s32 $0x4, s3;
	s28 =	sadd.s32 $0x5, s3;
	v2 =	vmov s5;
	v3 =	vmov s8;
	v1 =	vor.u32 v0, v1  }
0x1b: {  	s30 =	sadd.s32 $0x6, s3;
	s31 =	sadd.s32 $0x17, s1;
	s1 =	sadd.s32 $0x18, s1;
	v4 =	vmov s14;
	v6 =	vmov s25;
	v7 =	vmov s26  }
0x1c: {  	s19 =	sadd.s32 $0x9, s3;
	s2 =	sadd.s32 $0xA, s3;
	s11 =	sadd.s32 $0xB, s3;
	v8 =	vmov s28;
	v9 =	vmov s31;
	v10 =	vmov s1  }
0x1d: {  	s21 =	sadd.s32 $0xC, s3;
	s18 =	sadd.s32 $0xD, s3;
	s3 =	sadd.s32 $0xE, s3;
	v11 =	vmov s19;
	v12 =	vmov s2;
	v13 =	vmov s11  }
0x1e: {  	v14 =	vmov s21;
	v15 =	vmov s18;
	v16 =	vmov s3  }
0x1f: {  	v5 =	vand.u32 $0xFFFFFF80, v3;
	v3 =	vand.u32 $0x7F, v3;
	v17 =	vand.u32 $0xFFFFFF80, v2  }
0x20: {  	s17 =	sshllo.u32 s0, $0x2;
	v18 =	vand.u32 $0xFFFFFF80, v4;
	v19 =	vand.u32 $0xFFFFFF80, v6;
	v20 =	vand.u32 $0xFFFFFF80, v7  }
0x21: {  	s19 =	smul.u32 $0x29, s17;
	v21 =	vand.u32 $0xFFFFFF80, v8;
	v23 =	vand.u32 $0xFFFFFF80, v9;
	v24 =	vand.u32 $0xFFFFFF80, v10  }
0x22: {  	v25 =	vand.u32 $0xFFFFFF80, v11;
	v26 =	vand.u32 $0xFFFFFF80, v12;
	v27 =	vand.u32 $0xFFFFFF80, v13  }
0x23: {  	v28 =	vand.u32 $0xFFFFFF80, v14;
	v29 =	vand.u32 $0xFFFFFF80, v15;
	v30 =	vand.u32 $0xFFFFFF80, v16;
	s20 =	sshrl.u32 s19, $0xB  }
0x24: {  	v2 =	vand.u32 $0x71, v2;
	v4 =	vand.u32 $0x72, v4;
	v6 =	vand.u32 $0x73, v6;
	s1 =	sand.u32 $0x1F, s20  }
0x25: {  	v7 =	vand.u32 $0x74, v7;
	v8 =	vand.u32 $0x75, v8;
	v9 =	vand.u32 $0x77, v9;
	s21 =	smul.u32 $0xFFFFFFCE, s1  }
0x26: {  	v10 =	vand.u32 $0x78, v10;
	v11 =	vand.u32 $0x79, v11;
	v12 =	vand.u32 $0x7A, v12  }
0x27: {  	v13 =	vand.u32 $0x7B, v13;
	v14 =	vand.u32 $0x7C, v14;
	v15 =	vand.u32 $0x7D, v15;
	s8 =	sadd.s32 s17, s21  }
0x28: {  	v16 =	vand.u32 $0x7E, v16;
	v5 =	vadd.s32 v5, v1;
	v17 =	vadd.s32 v17, v1;
	s3 =	sshll.u32 s8, $0x9  }
0x29: {  	v18 =	vadd.s32 v18, v1;
	v19 =	vadd.s32 v19, v1;
	v20 =	vadd.s32 v20, v1;
	s23 =	sshll.u32 s1, $0xA;
	s22 =	sshll.u32 s8, $0x7;
	s3 =	sand.u32 $0xFFFFF000, s3  }
0x2a: {  	s24 =	simm.s32 $0x80;
	v21 =	vadd.s32 v21, v1;
	v23 =	vadd.s32 v23, v1;
	v24 =	vadd.s32 v24, v1;
	s5 =	sand.u32 $0x380, s22;
	s3 =	sadd.s32 s23, s3  }
0x2b: {  	s2 =	rddreg [dreg:$0x3];
	s25 =	simm.s32 $0x1;
	v25 =	vadd.s32 v25, v1;
	v26 =	vadd.s32 v26, v1;
	v27 =	vadd.s32 v27, v1;
	s3 =	sor.u32 s5, s3  }
0x2c: {  	v28 =	vadd.s32 v28, v1;
	v29 =	vadd.s32 v29, v1;
	v30 =	vadd.s32 v30, v1;
	[tilespmem:s16], [sflag:$0x4] =	stream.indirect.gather [hbm4b:s2+s24], $0x80, s3, s24, $0xb8;
	[tilespmem:$0x1F000] =	vst v63  }
0x2d: {  	p0 =	seq.s32 s0, $0x0;
	v3 =	vor.u32 v3, v5;
	v5 =	vmov s30;
	v2 =	vor.u32 v2, v17;
	_ =	swait.ge [sflag:s25], $0x4000  }
0x2e: {  	s14 =	simm.s32 @!p0 $0x5;
	s26 =	simm.s32 $0x0;
	v4 =	vor.u32 v4, v18;
	v6 =	vor.u32 v6, v19;
	v7 =	vor.u32 v7, v20;
	[sflag:s25] =	ssyncset.done $0x0  }
0x2f: {  	s28 =	simm.s32 $0x0;
	v8 =	vor.u32 v8, v21;
	v9 =	vor.u32 v9, v23;
	v10 =	vor.u32 v10, v24;
	s21 =	sand.u32 $0x30, s26;
	[sflag:s25] =	ssyncadd.s32 $0xFFFFC000  }
0x30: {  	v11 =	vor.u32 v11, v25;
	v12 =	vor.u32 v12, v26;
	v13 =	vor.u32 v13, v27;
	s5 =	simm.s32 $0x4;
	s3 =	simm.s32 $0x10;
	_ =	swait.ge @!p0 [sflag:s14], $0x2000  }
0x31: {  	v14 =	vor.u32 v14, v28;
	v22 =	vand.u32 $0xFFFFFF80, v5;
	v5 =	vand.u32 $0x76, v5;
	s24 =	sand.u32 $0x70, s5;
	s22 =	sand.u32 $0xFFFFFFC0, s3;
	[sflag:s14] =	ssyncset.done @!p0 $0x0  }
0x32: {  	s30 =	sand.u32 $0xFFFF8000, s28;
	v22 =	vadd.s32 v22, v1;
	v17 =	vor.u32 s21, v1;
	v1 =	vmov s24;
	s25 =	ssub.s32 $0x10, s22;
	[sflag:s14] =	ssyncadd.s32 @!p0 $0xFFFFE000  }
0x33: {  	v15 =	vor.u32 v15, v29;
	s19 =	ssub.s32 $0x0, s30;
	v5 =	vor.u32 v5, v22;
	v1 =	vshll.u32 v1, $0x7;
	s22 =	ssub.s32 $0x0, s22;
	s28 =	sadd.s32 $0x1, s25;
	v3 =	vld.idx.msk [tilespmem:v3+s12+$0x0], $0xffff  }
0x34: {  	v16 =	vor.u32 v16, v30;
	v1 =	vor.u32 v0, v1;
	s29 =	sadd.s32 $0x1F, s22;
	s30 =	sadd.s32 $0x2, s25;
	s31 =	sadd.s32 $0x3, s25;
	v18 =	vmov s28;
	v2 =	vld.idx.msk [tilespmem:v2+s12+$0x0], $0xffff  }
0x35: {  	s2 =	sadd.s32 $0x4, s25;
	s17 =	sadd.s32 $0x17, s22;
	s22 =	sadd.s32 $0x18, s22;
	v19 =	vmov s29;
	v20 =	vmov s30;
	v22 =	vmov s31;
	v4 =	vld.idx.msk [tilespmem:v4+s12+$0x0], $0xffff  }
0x36: {  	s18 =	sadd.s32 $0x9, s25;
	s20 =	sadd.s32 $0xB, s25;
	s23 =	sadd.s32 $0xC, s25;
	v23 =	vmov s2;
	v25 =	vmov s17;
	v28 =	vmov s22;
	v6 =	vld.idx.msk [tilespmem:v6+s12+$0x0], $0xffff  }
0x37: {  	s26 =	sadd.s32 $0xD, s25;
	v30 =	vmov s18;
	v32 =	vmov s20;
	v33 =	vmov s23;
	v7 =	vld.idx.msk [tilespmem:v7+s12+$0x0], $0xffff  }
0x38: {  	s29 =	sadd.s32 $0x5, s25;
	v34 =	vmov s26;
	v21 =	vand.u32 $0xFFFFFF80, v19;
	v19 =	vand.u32 $0x7F, v19;
	v29 =	vld.idx.msk [tilespmem:v5+s12+$0x0], $0xffff  }
0x39: {  	v24 =	vmov s29;
	v26 =	vand.u32 $0xFFFFFF80, v20;
	v27 =	vand.u32 $0xFFFFFF80, v22;
	v37 =	vld.idx.msk [tilespmem:v9+s12+$0x0], $0xffff  }
0x3a: {  	s19 =	sshra.s32 s19, $0x2;
	v38 =	vand.u32 $0xFFFFFF80, v30;
	v39 =	vand.u32 $0xFFFFFF80, v32;
	v40 =	vand.u32 $0xFFFFFF80, v33;
	v41 =	vld.idx.msk [tilespmem:v10+s12+$0x0], $0xffff  }
0x3b: {  	s10 =	sand.u32 $0x3FFFFFF0, s10;
	s11 =	sadd.s32 $0x6, s25;
	s14 =	sadd.s32 $0x17000, s19;
	v43 =	vand.u32 $0xFFFFFF80, v34;
	v62 =	vand.u32 $0x72, v20;
	v63 =	vand.u32 $0x73, v22;
	v45 =	vld.idx.msk [tilespmem:v11+s12+$0x0], $0xffff  }
0x3c: {  	s29 =	sadd.s32 $0xA, s25;
	s25 =	sadd.s32 $0xE, s25;
	v20 =	vand.u32 $0x7B, v32;
	v22 =	vand.u32 $0x7C, v33;
	v21 =	vadd.s32 v21, v1;
	s19 =	sadd.s32 s10, s14;
	v48 =	vld.idx.msk [tilespmem:v12+s12+$0x0], $0xffff  }
0x3d: {  	v31 =	vmov s29;
	v35 =	vmov s25;
	v5 =	vand.u32 $0xFFFFFF80, v24;
	v61 =	vld.idx.msk [tilespmem:v13+s12+$0x0], $0xffff;
	[tilespmem:s19+$0x780] =	vst v3  }
0x3e: {  	v9 =	vand.u32 $0xFFFFFF80, v28;
	v46 =	vadd.s32 v26, v1;
	v13 =	vld.idx.msk [tilespmem:v14+s12+$0x0], $0xffff;
	v19 =	vor.u32 v19, v21;
	[tilespmem:s19+$0x80] =	vst v2  }
0x3f: {  	v47 =	vadd.s32 v27, v1;
	v26 =	vand.u32 $0x74, v23;
	v27 =	vand.u32 $0x75, v24;
	v14 =	vld.idx.msk [tilespmem:v15+s12+$0x0], $0xffff;
	[tilespmem:s19+$0x100] =	vst v4  }
0x40: {  	v24 =	vand.u32 $0x77, v25;
	v15 =	vld.idx.msk [tilespmem:v16+s12+$0x0], $0xffff;
	v21 =	vmov s11;
	v44 =	vand.u32 $0xFFFFFF80, v35;
	[tilespmem:s19+$0x180] =	vst v6  }
0x41: {  	v16 =	vld.idx.msk [tilespmem:v17+s12+$0x0], $0xffff;
	v11 =	vadd.s32 v5, v1;
	v10 =	vadd.s32 v9, v1;
	v36 =	vand.u32 $0xFFFFFF80, v21;
	[tilespmem:s19+$0x200] =	vst v7  }
0x42: {  	s28 =	simm.s32 $0x2000;
	v9 =	vadd.s32 v38, v1;
	v17 =	vand.u32 $0x7E, v35;
	v12 =	vadd.s32 v36, v1;
	v3 =	vld.idx.msk [tilespmem:v8+s12+$0x0], $0xffff;
	[tilespmem:s19+$0x300] =	vst v29  }
0x43: {  	s10 =	sand.u32 $0xFFFF8000, s28;
	v8 =	vand.u32 $0xFFFFFF80, v18;
	v2 =	vand.u32 $0xFFFFFF80, v23;
	v4 =	vand.u32 $0xFFFFFF80, v25;
	[tilespmem:s19+$0x380] =	vst v37;
	v19 =	vld.idx.msk [tilespmem:v19+s12+$0x0], $0xffff  }
0x44: {  	s10 =	ssub.s32 $0x0, s10;
	v6 =	vand.u32 $0xFFFFFF80, v31;
	v29 =	vand.u32 $0x76, v21;
	v23 =	vand.u32 $0x78, v28;
	[tilespmem:s19+$0x400] =	vst v41  }
0x45: {  	s10 =	sshra.s32 s10, $0x2;
	v28 =	vand.u32 $0x79, v30;
	v21 =	vand.u32 $0x7A, v31;
	[tilespmem:s19+$0x480] =	vst v45;
	v25 =	vor.u32 v62, v46  }
0x46: {  	s30 =	sand.u32 $0x3FFFFFF0, s5;
	s22 =	simm.s32 $0x10;
	s10 =	sadd.s32 $0x17800, s10;
	[tilespmem:s19+$0x500] =	vst v48;
	v42 =	vadd.s32 v8, v1;
	v8 =	vadd.s32 v2, v1;
	v7 =	vadd.s32 v4, v1  }
0x47: {  	s21 =	sshll.u32 s21, $0x7;
	s29 =	sand.u32 $0x30, s22;
	s10 =	sadd.s32 s30, s10;
	v5 =	vadd.s32 v6, v1;
	v6 =	vadd.s32 v39, v1;
	v4 =	vadd.s32 v40, v1;
	[tilespmem:s19+$0x280] =	vst v3  }
0x48: {  	s9 =	simm.s32 $0x20000;
	s21 =	sor.u32 s7, s21;
	s31 =	sshll.u32 s29, $0x7;
	v2 =	vadd.s32 v43, v1;
	v3 =	vadd.s32 v44, v1;
	[tilespmem:s10+$0x780] =	vst v19;
	v19 =	vand.u32 $0x71, v18  }
0x49: {  	s14 =	sshll.u32 s0, $0x2;
	s25 =	simm.s32 $0x17800;
	s7 =	sor.u32 s24, s31;
	[tilespmem:s19+$0x580] =	vst v61;
	v18 =	vand.u32 $0x7D, v34;
	v30 =	vor.u32 v19, v42;
	v19 =	vor.u32 v63, v47  }
.LBB2_3:
0x4a: {  	v8 =	vor.u32 v26, v8;
	v11 =	vor.u32 v27, v11;
	v12 =	vor.u32 v29, v12;
	[tilespmem:s19+$0x600] =	vst v13;
	s28 =	smov.u32 s22;
	s22 =	sadd.s32 $0x10, s22  }
0x4b: {  	v7 =	vor.u32 v24, v7;
	v10 =	vor.u32 v23, v10;
	v9 =	vor.u32 v28, v9;
	s3 =	sadd.s32 $0x10, s3;
	s24 =	sand.u32 $0x30, s22;
	[tilespmem:s19+$0x680] =	vst v14  }
0x4c: {  	v5 =	vor.u32 v21, v5;
	v6 =	vor.u32 v20, v6;
	v4 =	vor.u32 v22, v4;
	s5 =	sadd.s32 $0x4, s5;
	s30 =	sand.u32 $0xFFFFFFC0, s3;
	s31 =	sshll.u32 s24, $0x7;
	[tilespmem:s19+$0x700] =	vst v15  }
0x4d: {  	v20 =	vor.u32 s29, v1;
	v2 =	vor.u32 v18, v2;
	v3 =	vor.u32 v17, v3;
	s19 =	sand.u32 $0x70, s5;
	s11 =	ssub.s32 s22, s30;
	s28 =	ssub.s32 s28, s30;
	[tilespmem:s21+$0x17000] =	vst v16  }
0x4e: {  	v1 =	vmov s19;
	s21 =	sadd.s32 $0x1, s11;
	s29 =	sadd.s32 $0x2, s11;
	s30 =	sadd.s32 $0x1F, s28;
	v13 =	vld.idx.msk [tilespmem:v30+s12+$0x0], $0xffff  }
0x4f: {  	s17 =	sadd.s32 $0x4, s11;
	s20 =	sadd.s32 $0x5, s11;
	v1 =	vshll.u32 v1, $0x7;
	v17 =	vmov s21;
	s21 =	sadd.s32 $0x3, s11;
	v14 =	vmov s30;
	v15 =	vld.idx.msk [tilespmem:v25+s12+$0x0], $0xffff  }
0x50: {  	v18 =	vmov s29;
	s29 =	sadd.s32 $0x6, s11;
	s30 =	sadd.s32 $0x17, s28;
	s28 =	sadd.s32 $0x18, s28;
	v1 =	vor.u32 v0, v1;
	v16 =	vand.u32 $0xFFFFFF80, v14;
	v19 =	vld.idx.msk [tilespmem:v19+s12+$0x0], $0xffff  }
0x51: {  	s23 =	sadd.s32 $0xA, s11;
	s26 =	sadd.s32 $0xB, s11;
	v21 =	vmov s21;
	s21 =	sadd.s32 $0x9, s11;
	v14 =	vand.u32 $0x7F, v14;
	v16 =	vadd.s32 v16, v1;
	v8 =	vld.idx.msk [tilespmem:v8+s12+$0x0], $0xffff  }
0x52: {  	v22 =	vmov s17;
	v23 =	vmov s20;
	s17 =	sadd.s32 $0xC, s11;
	s20 =	sadd.s32 $0xD, s11;
	s11 =	sadd.s32 $0xE, s11;
	v14 =	vor.u32 v14, v16;
	v11 =	vld.idx.msk [tilespmem:v11+s12+$0x0], $0xffff  }
0x53: {  	p1 =	slt.u32 s22, $0x1F0;
	s19 =	sor.u32 s19, s31;
	v24 =	vmov s29;
	v25 =	vmov s30;
	v28 =	vmov s28;
	s29 =	smov.u32 s24;
	v26 =	vld.idx.msk [tilespmem:v12+s12+$0x0], $0xffff  }
0x54: {  	v31 =	vmov s23;
	v32 =	vmov s26;
	v30 =	vmov s21;
	s21 =	smov.u32 s7;
	s7 =	smov.u32 s19;
	s19 =	smov.u32 s10;
	v29 =	vld.idx.msk [tilespmem:v7+s12+$0x0], $0xffff  }
0x55: {  	v33 =	vmov s17;
	v34 =	vmov s20;
	v35 =	vmov s11;
	v36 =	vld.idx.msk [tilespmem:v10+s12+$0x0], $0xffff  }
0x56: {  	v12 =	vand.u32 $0xFFFFFF80, v21;
	v7 =	vand.u32 $0xFFFFFF80, v17;
	v10 =	vand.u32 $0xFFFFFF80, v18;
	[tilespmem:s19+$0x80] =	vst v13;
	v37 =	vld.idx.msk [tilespmem:v9+s12+$0x0], $0xffff  }
0x57: {  	s10 =	sshll.u32 s3, $0x9;
	v27 =	vand.u32 $0xFFFFFF80, v24;
	v16 =	vand.u32 $0xFFFFFF80, v23;
	v9 =	vand.u32 $0xFFFFFF80, v22;
	v38 =	vld.idx.msk [tilespmem:v14+s12+$0x0], $0xffff;
	[tilespmem:s19+$0x100] =	vst v15  }
0x58: {  	v39 =	vand.u32 $0xFFFFFF80, v28;
	s10 =	sand.u32 $0xFFFF8000, s10;
	v40 =	vand.u32 $0xFFFFFF80, v30;
	v15 =	vand.u32 $0xFFFFFF80, v25;
	[tilespmem:s19+$0x180] =	vst v19;
	v19 =	vld.idx.msk [tilespmem:v5+s12+$0x0], $0xffff  }
0x59: {  	v41 =	vand.u32 $0xFFFFFF80, v32;
	v42 =	vand.u32 $0xFFFFFF80, v33;
	s10 =	ssub.s32 $0x0, s10;
	v5 =	vand.u32 $0xFFFFFF80, v31;
	[tilespmem:s19+$0x200] =	vst v8;
	v43 =	vld.idx.msk [tilespmem:v6+s12+$0x0], $0xffff  }
0x5a: {  	s25 =	sadd.s32 $0x800, s25;
	v45 =	vand.u32 $0xFFFFFF80, v34;
	v46 =	vand.u32 $0xFFFFFF80, v35;
	s10 =	sshra.s32 s10, $0x2;
	v44 =	vadd.s32 v7, v1;
	[tilespmem:s19+$0x280] =	vst v11;
	v13 =	vld.idx.msk [tilespmem:v4+s12+$0x0], $0xffff  }
0x5b: {  	s11 =	sand.u32 $0x3FFFFFF0, s5;
	s10 =	sadd.s32 s10, s25;
	v48 =	vadd.s32 v12, v1;
	v47 =	vadd.s32 v10, v1;
	v8 =	vadd.s32 v9, v1;
	v14 =	vld.idx.msk [tilespmem:v2+s12+$0x0], $0xffff  }
0x5c: {  	v12 =	vadd.s32 v27, v1;
	s10 =	sadd.s32 s11, s10;
	v7 =	vadd.s32 v15, v1;
	v11 =	vadd.s32 v16, v1;
	v15 =	vld.idx.msk [tilespmem:v3+s12+$0x0], $0xffff  }
0x5d: {  	v10 =	vadd.s32 v39, v1;
	v9 =	vadd.s32 v40, v1;
	v5 =	vadd.s32 v5, v1;
	[tilespmem:s10+$0x780] =	vst v38  }
0x5e: {  	v6 =	vadd.s32 v41, v1;
	v4 =	vadd.s32 v42, v1;
	v2 =	vadd.s32 v45, v1;
	v16 =	vld.idx.msk [tilespmem:v20+s12+$0x0], $0xffff  }
0x5f: {  	v39 =	vand.u32 $0x72, v18;
	v3 =	vadd.s32 v46, v1;
	v38 =	vand.u32 $0x71, v17;
	[tilespmem:s19+$0x300] =	vst v26  }
.Ltmp0:
0x60: {  	v27 =	vand.u32 $0x75, v23;
	v40 =	vand.u32 $0x73, v21;
	v26 =	vand.u32 $0x74, v22;
	[tilespmem:s19+$0x380] =	vst v29;
	(pc) =	sbr.rel @p1 .LBB2_3-.Ltmp0, $4  }
0x61: {  	v23 =	vand.u32 $0x78, v28;
	v29 =	vand.u32 $0x76, v24;
	v24 =	vand.u32 $0x77, v25;
	[tilespmem:s19+$0x400] =	vst v36  }
0x62: {  	v28 =	vand.u32 $0x79, v30;
	v21 =	vand.u32 $0x7A, v31;
	v20 =	vand.u32 $0x7B, v32;
	[tilespmem:s19+$0x480] =	vst v37  }
0x63: {  	v18 =	vand.u32 $0x7D, v34;
	v17 =	vand.u32 $0x7E, v35;
	v22 =	vand.u32 $0x7C, v33;
	[tilespmem:s19+$0x500] =	vst v19  }
0x64: {  	v30 =	vor.u32 v38, v44;
	v25 =	vor.u32 v39, v47;
	v19 =	vor.u32 v40, v48;
	[tilespmem:s19+$0x580] =	vst v43  }
0x65: {  	_ =	sdelay $0x1  }
0x66: {  	v8 =	vor.u32 v26, v8  }
0x67: {  	v11 =	vor.u32 v27, v11  }
0x68: {  	v12 =	vor.u32 v29, v12;
	v61 =	vld.idx.msk [tilespmem:v30+s12+$0x0], $0xffff  }
0x69: {  	[tilespmem:s19+$0x600] =	vst v13;
	v7 =	vor.u32 v24, v7;
	v62 =	vld.idx.msk [tilespmem:v25+s12+$0x0], $0xffff  }
0x6a: {  	v10 =	vor.u32 v23, v10;
	[tilespmem:s19+$0x680] =	vst v14;
	v63 =	vld.idx.msk [tilespmem:v19+s12+$0x0], $0xffff  }
0x6b: {  	v9 =	vor.u32 v28, v9;
	[tilespmem:s19+$0x700] =	vst v15;
	v8 =	vld.idx.msk [tilespmem:v8+s12+$0x0], $0xffff  }
0x6c: {  	v5 =	vor.u32 v21, v5;
	[tilespmem:s21+$0x17000] =	vst v16;
	v11 =	vld.idx.msk [tilespmem:v11+s12+$0x0], $0xffff  }
0x6d: {  	v6 =	vor.u32 v20, v6;
	v12 =	vld.idx.msk [tilespmem:v12+s12+$0x0], $0xffff;
	[tilespmem:s10+$0x80] =	vst v61  }
0x6e: {  	v4 =	vor.u32 v22, v4;
	v7 =	vld.idx.msk [tilespmem:v7+s12+$0x0], $0xffff;
	[tilespmem:s10+$0x100] =	vst v62  }
0x6f: {  	v2 =	vor.u32 v18, v2;
	v10 =	vld.idx.msk [tilespmem:v10+s12+$0x0], $0xffff;
	[tilespmem:s10+$0x180] =	vst v63  }
0x70: {  	v3 =	vor.u32 v17, v3;
	v9 =	vld.idx.msk [tilespmem:v9+s12+$0x0], $0xffff;
	[tilespmem:s10+$0x200] =	vst v8  }
0x71: {  	v1 =	vor.u32 s29, v1;
	v5 =	vld.idx.msk [tilespmem:v5+s12+$0x0], $0xffff;
	[tilespmem:s10+$0x280] =	vst v11  }
0x72: {  	s3 =	smulhi.u32 $0x51EB851F, s14;
	v6 =	vld.idx.msk [tilespmem:v6+s12+$0x0], $0xffff;
	[tilespmem:s10+$0x300] =	vst v12  }
0x73: {  	v4 =	vld.idx.msk [tilespmem:v4+s12+$0x0], $0xffff;
	[tilespmem:s10+$0x380] =	vst v7  }
0x74: {  	s5 =	sshrl.u32 s3, $0x4;
	v2 =	vld.idx.msk [tilespmem:v2+s12+$0x0], $0xffff;
	[tilespmem:s10+$0x400] =	vst v10  }
0x75: {  	s3 =	smul.u32 $0xFFFFFFCE, s5;
	v3 =	vld.idx.msk [tilespmem:v3+s12+$0x0], $0xffff;
	[tilespmem:s10+$0x480] =	vst v9  }
0x76: {  	v1 =	vld.idx.msk [tilespmem:v1+s12+$0x0], $0xffff;
	[tilespmem:s10+$0x500] =	vst v5  }
0x77: {  	p1 =	sne.s32 s0, $0x31;
	s5 =	sadd.s32 s6, s5;
	s11 =	sadd.s32 s14, s3;
	[tilespmem:s10+$0x580] =	vst v6  }
.Ltmp1:
0x78: {  	s5 =	sshll.u32 s5, $0xA;
	s11 =	sshll.u32 s11, $0x14;
	[tilespmem:s10+$0x600] =	vst v4;
	(pc) =	sbr.rel @p1 .LBB2_6-.Ltmp1, $4  }
0x79: {  	s11 =	sadd.s32 s5, s11;
	[tilespmem:s10+$0x680] =	vst v2  }
0x7a: {  	s29 =	sshrl.u32 s11, $0x3;
	[tilespmem:s10+$0x700] =	vst v3  }
0x7b: {  	s2 =	simm.s32 $0x400;
	s31 =	simm.s32 $0x17000;
	s30 =	sadd.s32 s4, s29;
	[tilespmem:s7+$0x17000] =	vst v1  }
0x7c: {  	[hbm4b:s30+s2] =	stream.strided.scatter [tilespmem:s31], [sflag:$0x5], $0x2000, s9, s2, $0x38;
	[tilespmem:$0x1F000] =	vst v63  }
.Ltmp2:
0x7d: {  	(pc) =	sbr.rel .LBB2_7-.Ltmp2, $4  }
0x7e: {  	s2 =	simm.s32 $0x2  }
0x7f: {  	_ =	swait.ge [sflag:s2], $0x4000  }
0x80: {  	[sflag:s2] =	ssyncset.done $0x0  }
0x81: {  	[sflag:s2] =	ssyncadd.s32 $0xFFFFC000  }
.LBB2_6:
0x82: {  	s7 =	sadd.s32 $0x4, s14  }
0x83: {  	s10 =	smulhi.u32 $0x51EB851F, s7;
	_ =	sdelay $0x1  }
0x84: {  	s11 =	sshrl.u32 s10, $0x4  }
0x85: {  	s11 =	smul.u32 $0xFFFFFFCE, s11;
	_ =	sdelay $0x1  }
0x86: {  	s7 =	sadd.s32 s7, s11  }
0x87: {  	s2 =	rddreg [dreg:$0x3];
	s10 =	sshll.u32 s10, $0x6;
	s11 =	sshll.u32 s7, $0x9  }
0x88: {  	s10 =	sand.u32 $0x3FFFFC00, s10;
	s7 =	sshll.u32 s7, $0x7;
	s11 =	sand.u32 $0xFFFFF000, s11  }
0x89: {  	s9 =	simm.s32 $0x80;
	s7 =	sand.u32 $0x300, s7;
	s10 =	sadd.s32 s10, s11  }
.Ltmp3:
0x8a: {  	s31 =	simm.s32 $0x2;
	s7 =	sor.u32 s7, s10;
	(pc) =	sbr.rel @p0 .LBB2_8-.Ltmp3, $4  }
0x8b: {  	[tilespmem:s12], [sflag:$0x1] =	stream.indirect.gather [hbm4b:s2+s9], $0x80, s7, s9, $0xb8;
	[tilespmem:$0x1F000] =	vst v63  }
0x8c: {  	_ =	swait.ge [sflag:s31], $0x4000  }
0x8d: {  	[sflag:s31] =	ssyncset.done $0x0  }
0x8e: {  	[sflag:s31] =	ssyncadd.s32 $0xFFFFC000  }
.LBB2_7:
0x8f: {  	s2 =	simm.s32 $0x6  }
0x90: {  	_ =	swait.ge [sflag:s2], $0x2000  }
0x91: {  	[sflag:s2] =	ssyncset.done $0x0  }
0x92: {  	[sflag:s2] =	ssyncadd.s32 $0xFFFFE000  }
.LBB2_8:
0x93: {  	s19 =	simm.s32 $0x0  }
0x94: {  	s7 =	sand.u32 $0xFFFFFFC0, s19;
	s31 =	sand.u32 $0x70, s19  }
0x95: {  	s10 =	ssub.s32 $0x0, s7;
	s7 =	ssub.s32 $0xFFFFFFF0, s7;
	v1 =	vmov s31  }
0x96: {  	s11 =	sadd.s32 $0x1, s10;
	s17 =	sadd.s32 $0x1F, s7;
	v1 =	vshll.u32 v1, $0x7;
	s20 =	sadd.s32 $0x2, s10  }
0x97: {  	s23 =	sadd.s32 $0x3, s10;
	s24 =	sadd.s32 $0x4, s10;
	s25 =	sadd.s32 $0x5, s10;
	v2 =	vmov s11;
	v3 =	vmov s17;
	v1 =	vor.u32 v0, v1  }
0x98: {  	s26 =	sadd.s32 $0x6, s10;
	s28 =	sadd.s32 $0x17, s7;
	s7 =	sadd.s32 $0x18, s7;
	v4 =	vmov s20;
	v6 =	vmov s23;
	v7 =	vmov s24  }
0x99: {  	s21 =	sadd.s32 $0x9, s10;
	s2 =	sadd.s32 $0xA, s10;
	s9 =	sadd.s32 $0xB, s10;
	v8 =	vmov s25;
	v9 =	vmov s28;
	v10 =	vmov s7  }
0x9a: {  	s22 =	sadd.s32 $0xC, s10;
	s18 =	sadd.s32 $0xD, s10;
	s10 =	sadd.s32 $0xE, s10;
	v11 =	vmov s21;
	v12 =	vmov s2;
	v13 =	vmov s9  }
0x9b: {  	v14 =	vmov s22;
	v15 =	vmov s18;
	v16 =	vmov s10  }
0x9c: {  	v5 =	vand.u32 $0xFFFFFF80, v3;
	v3 =	vand.u32 $0x7F, v3;
	v17 =	vand.u32 $0xFFFFFF80, v2  }
0x9d: {  	v18 =	vand.u32 $0xFFFFFF80, v4;
	v19 =	vand.u32 $0xFFFFFF80, v6;
	v20 =	vand.u32 $0xFFFFFF80, v7  }
0x9e: {  	v21 =	vand.u32 $0xFFFFFF80, v8;
	v23 =	vand.u32 $0xFFFFFF80, v9;
	v24 =	vand.u32 $0xFFFFFF80, v10  }
0x9f: {  	v25 =	vand.u32 $0xFFFFFF80, v11;
	v26 =	vand.u32 $0xFFFFFF80, v12;
	v27 =	vand.u32 $0xFFFFFF80, v13  }
0xa0: {  	v28 =	vand.u32 $0xFFFFFF80, v14;
	v29 =	vand.u32 $0xFFFFFF80, v15;
	v30 =	vand.u32 $0xFFFFFF80, v16  }
0xa1: {  	v2 =	vand.u32 $0x71, v2;
	v4 =	vand.u32 $0x72, v4;
	v6 =	vand.u32 $0x73, v6  }
0xa2: {  	v7 =	vand.u32 $0x74, v7;
	v8 =	vand.u32 $0x75, v8;
	v9 =	vand.u32 $0x77, v9  }
0xa3: {  	v10 =	vand.u32 $0x78, v10;
	v11 =	vand.u32 $0x79, v11;
	v12 =	vand.u32 $0x7A, v12  }
0xa4: {  	v13 =	vand.u32 $0x7B, v13;
	v14 =	vand.u32 $0x7C, v14;
	v15 =	vand.u32 $0x7D, v15  }
0xa5: {  	v16 =	vand.u32 $0x7E, v16;
	v5 =	vadd.s32 v5, v1;
	v17 =	vadd.s32 v17, v1  }
0xa6: {  	v18 =	vadd.s32 v18, v1;
	v19 =	vadd.s32 v19, v1;
	v20 =	vadd.s32 v20, v1  }
0xa7: {  	v21 =	vadd.s32 v21, v1;
	v23 =	vadd.s32 v23, v1;
	v24 =	vadd.s32 v24, v1  }
0xa8: {  	v25 =	vadd.s32 v25, v1;
	v26 =	vadd.s32 v26, v1;
	v27 =	vadd.s32 v27, v1  }
0xa9: {  	v28 =	vadd.s32 v28, v1;
	v29 =	vadd.s32 v29, v1;
	v30 =	vadd.s32 v30, v1  }
0xaa: {  	v3 =	vor.u32 v3, v5;
	v5 =	vmov s26;
	v2 =	vor.u32 v2, v17  }
0xab: {  	v4 =	vor.u32 v4, v18;
	v6 =	vor.u32 v6, v19;
	v7 =	vor.u32 v7, v20  }
0xac: {  	s20 =	simm.s32 $0x0;
	s7 =	simm.s32 $0x10;
	v8 =	vor.u32 v8, v21;
	v9 =	vor.u32 v9, v23;
	v10 =	vor.u32 v10, v24  }
0xad: {  	s24 =	sand.u32 $0x30, s20;
	s23 =	sand.u32 $0xFFFFFFC0, s7;
	v11 =	vor.u32 v11, v25;
	v12 =	vor.u32 v12, v26;
	v13 =	vor.u32 v13, v27  }
0xae: {  	s20 =	ssub.s32 $0x10, s23;
	s17 =	ssub.s32 $0x0, s23;
	v14 =	vor.u32 v14, v28;
	v17 =	vor.u32 s24, v1;
	v15 =	vor.u32 v15, v29  }
0xaf: {  	v16 =	vor.u32 v16, v30;
	s25 =	sadd.s32 $0x1, s20;
	s26 =	sadd.s32 $0x1F, s17;
	s23 =	sadd.s32 $0x2, s20;
	v22 =	vand.u32 $0xFFFFFF80, v5;
	v5 =	vand.u32 $0x76, v5  }
0xb0: {  	s10 =	simm.s32 $0x4;
	s2 =	sadd.s32 $0x4, s20;
	s9 =	sadd.s32 $0x5, s20;
	v18 =	vmov s25;
	v19 =	vmov s26;
	v20 =	vmov s23;
	v3 =	vld.idx.msk [tilespmem:v3+s13+$0x0], $0xffff  }
0xb1: {  	s29 =	sand.u32 $0x70, s10;
	v23 =	vmov s2;
	v24 =	vmov s9;
	v22 =	vadd.s32 v22, v1;
	v2 =	vld.idx.msk [tilespmem:v2+s13+$0x0], $0xffff  }
0xb2: {  	s25 =	sadd.s32 $0x17, s17;
	s17 =	sadd.s32 $0x18, s17;
	s2 =	sadd.s32 $0xA, s20;
	v1 =	vmov s29;
	v21 =	vand.u32 $0xFFFFFF80, v19;
	v19 =	vand.u32 $0x7F, v19;
	v4 =	vld.idx.msk [tilespmem:v4+s13+$0x0], $0xffff  }
0xb3: {  	s26 =	sadd.s32 $0xB, s20;
	s9 =	sadd.s32 $0xC, s20;
	v25 =	vmov s25;
	v28 =	vmov s17;
	v31 =	vmov s2;
	v6 =	vld.idx.msk [tilespmem:v6+s13+$0x0], $0xffff  }
0xb4: {  	s21 =	simm.s32 $0x0;
	v32 =	vmov s26;
	v33 =	vmov s9;
	v26 =	vand.u32 $0xFFFFFF80, v20;
	v7 =	vld.idx.msk [tilespmem:v7+s13+$0x0], $0xffff  }
0xb5: {  	s22 =	sand.u32 $0xFFFF8000, s21;
	s28 =	sadd.s32 $0x3, s20;
	v62 =	vand.u32 $0x72, v20;
	v5 =	vor.u32 v5, v22;
	v1 =	vshll.u32 v1, $0x7;
	v37 =	vld.idx.msk [tilespmem:v9+s13+$0x0], $0xffff  }
0xb6: {  	s11 =	ssub.s32 $0x0, s22;
	v22 =	vmov s28;
	s28 =	sadd.s32 $0x9, s20;
	v39 =	vand.u32 $0xFFFFFF80, v32;
	v40 =	vand.u32 $0xFFFFFF80, v33;
	v41 =	vld.idx.msk [tilespmem:v10+s13+$0x0], $0xffff  }
0xb7: {  	s11 =	sshra.s32 s11, $0x2;
	v20 =	vand.u32 $0x7B, v32;
	v1 =	vor.u32 v0, v1;
	v30 =	vmov s28;
	v45 =	vld.idx.msk [tilespmem:v11+s13+$0x0], $0xffff  }
0xb8: {  	s19 =	sand.u32 $0x3FFFFFF0, s19;
	s11 =	sadd.s32 $0x17000, s11;
	v27 =	vand.u32 $0xFFFFFF80, v22;
	v63 =	vand.u32 $0x73, v22;
	v22 =	vand.u32 $0x7C, v33;
	v48 =	vld.idx.msk [tilespmem:v12+s13+$0x0], $0xffff  }
0xb9: {  	s22 =	sadd.s32 s19, s11;
	v21 =	vadd.s32 v21, v1;
	v9 =	vand.u32 $0xFFFFFF80, v28;
	v38 =	vand.u32 $0xFFFFFF80, v30;
	v61 =	vld.idx.msk [tilespmem:v13+s13+$0x0], $0xffff  }
0xba: {  	s18 =	sadd.s32 $0x6, s20;
	v46 =	vadd.s32 v26, v1;
	v47 =	vadd.s32 v27, v1;
	v13 =	vld.idx.msk [tilespmem:v14+s13+$0x0], $0xffff;
	v26 =	vand.u32 $0x74, v23;
	[tilespmem:s22+$0x2780] =	vst v3  }
0xbb: {  	v27 =	vand.u32 $0x75, v24;
	v14 =	vld.idx.msk [tilespmem:v15+s13+$0x0], $0xffff;
	v19 =	vor.u32 v19, v21;
	v21 =	vmov s18;
	s18 =	sadd.s32 $0xD, s20;
	[tilespmem:s22+$0x2080] =	vst v2  }
0xbc: {  	v15 =	vld.idx.msk [tilespmem:v16+s13+$0x0], $0xffff;
	s20 =	sadd.s32 $0xE, s20;
	v10 =	vadd.s32 v9, v1;
	v9 =	vadd.s32 v38, v1;
	v34 =	vmov s18;
	[tilespmem:s22+$0x2100] =	vst v4  }
0xbd: {  	v35 =	vmov s20;
	v36 =	vand.u32 $0xFFFFFF80, v21;
	v29 =	vld.idx.msk [tilespmem:v5+s13+$0x0], $0xffff;
	v5 =	vand.u32 $0xFFFFFF80, v24;
	[tilespmem:s22+$0x2180] =	vst v6  }
0xbe: {  	s23 =	simm.s32 $0x2000;
	v16 =	vld.idx.msk [tilespmem:v17+s13+$0x0], $0xffff;
	v43 =	vand.u32 $0xFFFFFF80, v34;
	v44 =	vand.u32 $0xFFFFFF80, v35;
	v12 =	vadd.s32 v36, v1;
	[tilespmem:s22+$0x2200] =	vst v7  }
0xbf: {  	s11 =	sand.u32 $0xFFFF8000, s23;
	v24 =	vand.u32 $0x77, v25;
	v17 =	vand.u32 $0x7E, v35;
	v11 =	vadd.s32 v5, v1;
	v3 =	vld.idx.msk [tilespmem:v8+s13+$0x0], $0xffff;
	[tilespmem:s22+$0x2380] =	vst v37  }
0xc0: {  	s11 =	ssub.s32 $0x0, s11;
	v8 =	vand.u32 $0xFFFFFF80, v18;
	v2 =	vand.u32 $0xFFFFFF80, v23;
	v4 =	vand.u32 $0xFFFFFF80, v25;
	[tilespmem:s22+$0x2400] =	vst v41;
	v19 =	vld.idx.msk [tilespmem:v19+s13+$0x0], $0xffff  }
0xc1: {  	s11 =	sshra.s32 s11, $0x2;
	v6 =	vand.u32 $0xFFFFFF80, v31;
	v23 =	vand.u32 $0x78, v28;
	v28 =	vand.u32 $0x79, v30;
	[tilespmem:s22+$0x2480] =	vst v45  }
0xc2: {  	s25 =	sand.u32 $0x3FFFFFF0, s10;
	s11 =	sadd.s32 $0x17800, s11;
	[tilespmem:s22+$0x2500] =	vst v48;
	v25 =	vor.u32 v62, v46;
	v42 =	vadd.s32 v8, v1;
	v8 =	vadd.s32 v2, v1  }
0xc3: {  	s19 =	sadd.s32 s25, s11;
	s25 =	simm.s32 $0x10;
	v7 =	vadd.s32 v4, v1;
	v5 =	vadd.s32 v6, v1;
	v6 =	vadd.s32 v39, v1;
	[tilespmem:s22+$0x2300] =	vst v29  }
0xc4: {  	s21 =	sand.u32 $0x30, s25;
	v4 =	vadd.s32 v40, v1;
	v2 =	vadd.s32 v43, v1;
	v29 =	vand.u32 $0x76, v21;
	[tilespmem:s22+$0x2280] =	vst v3  }
0xc5: {  	s30 =	sor.u32 $0x1, s14;
	s26 =	sshll.u32 s24, $0x7;
	s28 =	sshll.u32 s21, $0x7;
	v21 =	vand.u32 $0x7A, v31;
	v3 =	vadd.s32 v44, v1;
	[tilespmem:s19+$0x2780] =	vst v19;
	v19 =	vand.u32 $0x71, v18  }
0xc6: {  	s24 =	sor.u32 s31, s26;
	s31 =	sor.u32 s29, s28;
	s29 =	simm.s32 $0x17800;
	[tilespmem:s22+$0x2580] =	vst v61;
	v18 =	vand.u32 $0x7D, v34;
	v30 =	vor.u32 v19, v42;
	v19 =	vor.u32 v63, v47  }
.LBB2_9:
0xc7: {  	v8 =	vor.u32 v26, v8;
	v11 =	vor.u32 v27, v11;
	v12 =	vor.u32 v29, v12;
	[tilespmem:s22+$0x2600] =	vst v13;
	s11 =	smov.u32 s25;
	s25 =	sadd.s32 $0x10, s25  }
0xc8: {  	v7 =	vor.u32 v24, v7;
	v10 =	vor.u32 v23, v10;
	v9 =	vor.u32 v28, v9;
	s7 =	sadd.s32 $0x10, s7;
	s28 =	sand.u32 $0x30, s25;
	[tilespmem:s22+$0x2680] =	vst v14  }
0xc9: {  	v5 =	vor.u32 v21, v5;
	v6 =	vor.u32 v20, v6;
	v4 =	vor.u32 v22, v4;
	s10 =	sadd.s32 $0x4, s10;
	s17 =	sand.u32 $0xFFFFFFC0, s7;
	s20 =	sshll.u32 s28, $0x7;
	[tilespmem:s22+$0x2700] =	vst v15  }
0xca: {  	v20 =	vor.u32 s21, v1;
	v2 =	vor.u32 v18, v2;
	v3 =	vor.u32 v17, v3;
	s22 =	sand.u32 $0x70, s10;
	s23 =	ssub.s32 s25, s17;
	s11 =	ssub.s32 s11, s17;
	[tilespmem:s24+$0x19000] =	vst v16  }
0xcb: {  	v1 =	vmov s22;
	s17 =	sadd.s32 $0x1, s23;
	s21 =	sadd.s32 $0x2, s23;
	s24 =	sadd.s32 $0x1F, s11;
	v13 =	vld.idx.msk [tilespmem:v30+s13+$0x0], $0xffff  }
0xcc: {  	s26 =	sadd.s32 $0x4, s23;
	s2 =	sadd.s32 $0x5, s23;
	v1 =	vshll.u32 v1, $0x7;
	v17 =	vmov s17;
	s17 =	sadd.s32 $0x3, s23;
	v14 =	vmov s24;
	v15 =	vld.idx.msk [tilespmem:v25+s13+$0x0], $0xffff  }
0xcd: {  	v18 =	vmov s21;
	s21 =	sadd.s32 $0x6, s23;
	s24 =	sadd.s32 $0x17, s11;
	s11 =	sadd.s32 $0x18, s11;
	v1 =	vor.u32 v0, v1;
	v16 =	vand.u32 $0xFFFFFF80, v14;
	v19 =	vld.idx.msk [tilespmem:v19+s13+$0x0], $0xffff  }
0xce: {  	s18 =	sadd.s32 $0xA, s23;
	s9 =	sadd.s32 $0xB, s23;
	v21 =	vmov s17;
	s17 =	sadd.s32 $0x9, s23;
	v14 =	vand.u32 $0x7F, v14;
	v16 =	vadd.s32 v16, v1;
	v8 =	vld.idx.msk [tilespmem:v8+s13+$0x0], $0xffff  }
0xcf: {  	v22 =	vmov s26;
	v23 =	vmov s2;
	s2 =	sadd.s32 $0xC, s23;
	s26 =	sadd.s32 $0xD, s23;
	s23 =	sadd.s32 $0xE, s23;
	v14 =	vor.u32 v14, v16;
	v11 =	vld.idx.msk [tilespmem:v11+s13+$0x0], $0xffff  }
0xd0: {  	p2 =	slt.u32 s25, $0x1F0;
	s20 =	sor.u32 s22, s20;
	v24 =	vmov s21;
	v25 =	vmov s24;
	v28 =	vmov s11;
	s21 =	smov.u32 s28;
	v26 =	vld.idx.msk [tilespmem:v12+s13+$0x0], $0xffff  }
0xd1: {  	s22 =	smov.u32 s19;
	v31 =	vmov s18;
	v32 =	vmov s9;
	s24 =	smov.u32 s31;
	s31 =	smov.u32 s20;
	v30 =	vmov s17;
	v29 =	vld.idx.msk [tilespmem:v7+s13+$0x0], $0xffff  }
0xd2: {  	v33 =	vmov s2;
	v34 =	vmov s26;
	v35 =	vmov s23;
	v36 =	vld.idx.msk [tilespmem:v10+s13+$0x0], $0xffff  }
0xd3: {  	v12 =	vand.u32 $0xFFFFFF80, v21;
	v7 =	vand.u32 $0xFFFFFF80, v17;
	v10 =	vand.u32 $0xFFFFFF80, v18;
	[tilespmem:s22+$0x2080] =	vst v13;
	v37 =	vld.idx.msk [tilespmem:v9+s13+$0x0], $0xffff  }
0xd4: {  	s2 =	sshll.u32 s7, $0x9;
	v27 =	vand.u32 $0xFFFFFF80, v24;
	v16 =	vand.u32 $0xFFFFFF80, v23;
	v9 =	vand.u32 $0xFFFFFF80, v22;
	v38 =	vld.idx.msk [tilespmem:v14+s13+$0x0], $0xffff;
	[tilespmem:s22+$0x2100] =	vst v15  }
0xd5: {  	s2 =	sand.u32 $0xFFFF8000, s2;
	v39 =	vand.u32 $0xFFFFFF80, v28;
	v40 =	vand.u32 $0xFFFFFF80, v30;
	v15 =	vand.u32 $0xFFFFFF80, v25;
	[tilespmem:s22+$0x2180] =	vst v19;
	v19 =	vld.idx.msk [tilespmem:v5+s13+$0x0], $0xffff  }
0xd6: {  	v41 =	vand.u32 $0xFFFFFF80, v32;
	v42 =	vand.u32 $0xFFFFFF80, v33;
	s2 =	ssub.s32 $0x0, s2;
	v5 =	vand.u32 $0xFFFFFF80, v31;
	[tilespmem:s22+$0x2200] =	vst v8;
	v43 =	vld.idx.msk [tilespmem:v6+s13+$0x0], $0xffff  }
0xd7: {  	s29 =	sadd.s32 $0x800, s29;
	v45 =	vand.u32 $0xFFFFFF80, v34;
	v46 =	vand.u32 $0xFFFFFF80, v35;
	s2 =	sshra.s32 s2, $0x2;
	v44 =	vadd.s32 v7, v1;
	[tilespmem:s22+$0x2280] =	vst v11;
	v13 =	vld.idx.msk [tilespmem:v4+s13+$0x0], $0xffff  }
0xd8: {  	s9 =	sand.u32 $0x3FFFFFF0, s10;
	s2 =	sadd.s32 s2, s29;
	v48 =	vadd.s32 v12, v1;
	v47 =	vadd.s32 v10, v1;
	v8 =	vadd.s32 v9, v1;
	v14 =	vld.idx.msk [tilespmem:v2+s13+$0x0], $0xffff  }
0xd9: {  	s19 =	sadd.s32 s9, s2;
	v12 =	vadd.s32 v27, v1;
	v7 =	vadd.s32 v15, v1;
	v11 =	vadd.s32 v16, v1;
	v15 =	vld.idx.msk [tilespmem:v3+s13+$0x0], $0xffff  }
0xda: {  	v10 =	vadd.s32 v39, v1;
	v9 =	vadd.s32 v40, v1;
	v5 =	vadd.s32 v5, v1;
	[tilespmem:s19+$0x2780] =	vst v38  }
0xdb: {  	v6 =	vadd.s32 v41, v1;
	v4 =	vadd.s32 v42, v1;
	v2 =	vadd.s32 v45, v1;
	v16 =	vld.idx.msk [tilespmem:v20+s13+$0x0], $0xffff  }
0xdc: {  	v39 =	vand.u32 $0x72, v18;
	v3 =	vadd.s32 v46, v1;
	v38 =	vand.u32 $0x71, v17;
	[tilespmem:s22+$0x2300] =	vst v26  }
.Ltmp4:
0xdd: {  	v27 =	vand.u32 $0x75, v23;
	v40 =	vand.u32 $0x73, v21;
	v26 =	vand.u32 $0x74, v22;
	[tilespmem:s22+$0x2380] =	vst v29;
	(pc) =	sbr.rel @p2 .LBB2_9-.Ltmp4, $4  }
0xde: {  	v23 =	vand.u32 $0x78, v28;
	v29 =	vand.u32 $0x76, v24;
	v24 =	vand.u32 $0x77, v25;
	[tilespmem:s22+$0x2400] =	vst v36  }
0xdf: {  	v28 =	vand.u32 $0x79, v30;
	v21 =	vand.u32 $0x7A, v31;
	v20 =	vand.u32 $0x7B, v32;
	[tilespmem:s22+$0x2480] =	vst v37  }
0xe0: {  	v18 =	vand.u32 $0x7D, v34;
	v17 =	vand.u32 $0x7E, v35;
	v22 =	vand.u32 $0x7C, v33;
	[tilespmem:s22+$0x2500] =	vst v19  }
0xe1: {  	v30 =	vor.u32 v38, v44;
	v25 =	vor.u32 v39, v47;
	v19 =	vor.u32 v40, v48;
	[tilespmem:s22+$0x2580] =	vst v43  }
0xe2: {  	_ =	sdelay $0x1  }
0xe3: {  	v8 =	vor.u32 v26, v8  }
0xe4: {  	v11 =	vor.u32 v27, v11  }
0xe5: {  	v12 =	vor.u32 v29, v12;
	v61 =	vld.idx.msk [tilespmem:v30+s13+$0x0], $0xffff  }
0xe6: {  	[tilespmem:s22+$0x2600] =	vst v13;
	v7 =	vor.u32 v24, v7;
	v62 =	vld.idx.msk [tilespmem:v25+s13+$0x0], $0xffff  }
0xe7: {  	v10 =	vor.u32 v23, v10;
	[tilespmem:s22+$0x2680] =	vst v14;
	v63 =	vld.idx.msk [tilespmem:v19+s13+$0x0], $0xffff  }
0xe8: {  	v9 =	vor.u32 v28, v9;
	[tilespmem:s22+$0x2700] =	vst v15;
	v8 =	vld.idx.msk [tilespmem:v8+s13+$0x0], $0xffff  }
0xe9: {  	v5 =	vor.u32 v21, v5;
	[tilespmem:s24+$0x19000] =	vst v16;
	v11 =	vld.idx.msk [tilespmem:v11+s13+$0x0], $0xffff  }
0xea: {  	v6 =	vor.u32 v20, v6;
	v12 =	vld.idx.msk [tilespmem:v12+s13+$0x0], $0xffff;
	[tilespmem:s19+$0x2080] =	vst v61  }
0xeb: {  	v4 =	vor.u32 v22, v4;
	v7 =	vld.idx.msk [tilespmem:v7+s13+$0x0], $0xffff;
	[tilespmem:s19+$0x2100] =	vst v62  }
0xec: {  	v2 =	vor.u32 v18, v2;
	v10 =	vld.idx.msk [tilespmem:v10+s13+$0x0], $0xffff;
	[tilespmem:s19+$0x2180] =	vst v63  }
0xed: {  	v3 =	vor.u32 v17, v3;
	v9 =	vld.idx.msk [tilespmem:v9+s13+$0x0], $0xffff;
	[tilespmem:s19+$0x2200] =	vst v8  }
0xee: {  	v1 =	vor.u32 s21, v1;
	v5 =	vld.idx.msk [tilespmem:v5+s13+$0x0], $0xffff;
	[tilespmem:s19+$0x2280] =	vst v11  }
0xef: {  	v6 =	vld.idx.msk [tilespmem:v6+s13+$0x0], $0xffff;
	[tilespmem:s19+$0x2300] =	vst v12  }
0xf0: {  	v4 =	vld.idx.msk [tilespmem:v4+s13+$0x0], $0xffff;
	[tilespmem:s19+$0x2380] =	vst v7  }
0xf1: {  	v2 =	vld.idx.msk [tilespmem:v2+s13+$0x0], $0xffff;
	[tilespmem:s19+$0x2400] =	vst v10  }
0xf2: {  	v3 =	vld.idx.msk [tilespmem:v3+s13+$0x0], $0xffff;
	[tilespmem:s19+$0x2480] =	vst v9  }
0xf3: {  	v1 =	vld.idx.msk [tilespmem:v1+s13+$0x0], $0xffff;
	[tilespmem:s19+$0x2500] =	vst v5  }
0xf4: {  	s2 =	sadd.s32 s3, s30;
	[tilespmem:s19+$0x2580] =	vst v6  }
.Ltmp5:
0xf5: {  	s2 =	sshll.u32 s2, $0x14;
	[tilespmem:s19+$0x2600] =	vst v4;
	(pc) =	sbr.rel @p1 .LBB2_12-.Ltmp5, $4  }
0xf6: {  	s2 =	sadd.s32 s5, s2;
	[tilespmem:s19+$0x2680] =	vst v2  }
0xf7: {  	s29 =	simm.s32 $0x400;
	s30 =	simm.s32 $0x19000;
	s2 =	sshrl.u32 s2, $0x3;
	[tilespmem:s19+$0x2700] =	vst v3  }
0xf8: {  	s2 =	sadd.s32 s4, s2;
	[tilespmem:s31+$0x19000] =	vst v1;
	s31 =	smov.u32 s4;
	s4 =	simm.s32 $0x20000  }
0xf9: {  	[hbm4b:s2+s29] =	stream.strided.scatter [tilespmem:s30], [sflag:$0x6], $0x2000, s4, s29, $0x38;
	[tilespmem:$0x1F000] =	vst v63  }
.Ltmp6:
0xfa: {  	(pc) =	sbr.rel .LBB2_13-.Ltmp6, $4  }
0xfb: {  	s2 =	simm.s32 $0x3  }
0xfc: {  	_ =	swait.ge [sflag:s2], $0x4000  }
0xfd: {  	[sflag:s2] =	ssyncset.done $0x0  }
0xfe: {  	[sflag:s2] =	ssyncadd.s32 $0xFFFFC000  }
.LBB2_12:
0xff: {  	s2 =	sadd.s32 $0x5, s14  }
0x100: {  	s3 =	smulhi.u32 $0x51EB851F, s2;
	_ =	sdelay $0x1  }
0x101: {  	s5 =	sshrl.u32 s3, $0x4  }
0x102: {  	s5 =	smul.u32 $0xFFFFFFCE, s5;
	_ =	sdelay $0x1  }
0x103: {  	s2 =	sadd.s32 s2, s5  }
0x104: {  	s28 =	rddreg [dreg:$0x3];
	s3 =	sshll.u32 s3, $0x6;
	s5 =	sshll.u32 s2, $0x9  }
0x105: {  	s3 =	sand.u32 $0x3FFFFC00, s3;
	s2 =	sshll.u32 s2, $0x7;
	s5 =	sand.u32 $0xFFFFF000, s5  }
0x106: {  	s29 =	simm.s32 $0x80;
	s2 =	sand.u32 $0x380, s2;
	s3 =	sadd.s32 s3, s5  }
.Ltmp7:
0x107: {  	s30 =	simm.s32 $0x3;
	s2 =	sor.u32 s2, s3;
	(pc) =	sbr.rel @p0 .LBB2_14-.Ltmp7, $4  }
0x108: {  	[tilespmem:s13], [sflag:$0x2] =	stream.indirect.gather [hbm4b:s28+s29], $0x80, s2, s29, $0xb8;
	[tilespmem:$0x1F000] =	vst v63  }
0x109: {  	_ =	swait.ge [sflag:s30], $0x4000  }
0x10a: {  	[sflag:s30] =	ssyncset.done $0x0  }
0x10b: {  	[sflag:s30] =	ssyncadd.s32 $0xFFFFC000  }
.LBB2_13:
0x10c: {  	s2 =	simm.s32 $0x7  }
0x10d: {  	_ =	swait.ge [sflag:s2], $0x2000  }
0x10e: {  	[sflag:s2] =	ssyncset.done $0x0  }
0x10f: {  	[sflag:s2] =	ssyncadd.s32 $0xFFFFE000  }
.LBB2_14:
0x110: {  	s2 =	simm.s32 $0x0  }
0x111: {  	s3 =	sand.u32 $0xFFFFFFC0, s2;
	s10 =	sand.u32 $0x70, s2  }
0x112: {  	s26 =	ssub.s32 $0x0, s3;
	s3 =	ssub.s32 $0xFFFFFFF0, s3;
	v1 =	vmov s10  }
0x113: {  	s5 =	sadd.s32 $0x1, s26;
	s7 =	sadd.s32 $0x1F, s3;
	v1 =	vshll.u32 v1, $0x7  }
0x114: {  	s9 =	sadd.s32 $0x2, s26;
	s28 =	sadd.s32 $0x3, s26;
	s29 =	sadd.s32 $0x4, s26;
	v2 =	vmov s5;
	v3 =	vmov s7;
	v1 =	vor.u32 v0, v1  }
0x115: {  	s18 =	sadd.s32 $0x17, s3;
	s3 =	sadd.s32 $0x18, s3;
	s11 =	sadd.s32 $0x9, s26;
	v4 =	vmov s9;
	v6 =	vmov s28;
	v7 =	vmov s29  }
0x116: {  	s19 =	sadd.s32 $0xA, s26;
	s20 =	sadd.s32 $0xB, s26;
	s21 =	sadd.s32 $0xD, s26;
	v9 =	vmov s18;
	v10 =	vmov s3;
	v11 =	vmov s11  }
0x117: {  	s2 =	sadd.s32 $0xE, s26;
	v12 =	vmov s19;
	v13 =	vmov s20;
	v15 =	vmov s21  }
0x118: {  	s9 =	sadd.s32 $0x5, s26;
	v16 =	vmov s2;
	v5 =	vand.u32 $0xFFFFFF80, v3;
	v3 =	vand.u32 $0x7F, v3  }
0x119: {  	v8 =	vmov s9;
	v17 =	vand.u32 $0xFFFFFF80, v2;
	v18 =	vand.u32 $0xFFFFFF80, v4  }
0x11a: {  	v19 =	vand.u32 $0xFFFFFF80, v6;
	v20 =	vand.u32 $0xFFFFFF80, v7;
	v23 =	vand.u32 $0xFFFFFF80, v9  }
0x11b: {  	v24 =	vand.u32 $0xFFFFFF80, v10;
	v25 =	vand.u32 $0xFFFFFF80, v11;
	v26 =	vand.u32 $0xFFFFFF80, v12  }
0x11c: {  	v27 =	vand.u32 $0xFFFFFF80, v13;
	v29 =	vand.u32 $0xFFFFFF80, v15;
	v30 =	vand.u32 $0xFFFFFF80, v16  }
0x11d: {  	v2 =	vand.u32 $0x71, v2;
	v4 =	vand.u32 $0x72, v4;
	v6 =	vand.u32 $0x73, v6  }
0x11e: {  	v7 =	vand.u32 $0x74, v7;
	v9 =	vand.u32 $0x77, v9;
	v10 =	vand.u32 $0x78, v10  }
0x11f: {  	v11 =	vand.u32 $0x79, v11;
	v12 =	vand.u32 $0x7A, v12;
	v13 =	vand.u32 $0x7B, v13  }
0x120: {  	v15 =	vand.u32 $0x7D, v15;
	v16 =	vand.u32 $0x7E, v16;
	v5 =	vadd.s32 v5, v1  }
0x121: {  	v21 =	vand.u32 $0xFFFFFF80, v8;
	v17 =	vadd.s32 v17, v1;
	v18 =	vadd.s32 v18, v1  }
0x122: {  	v19 =	vadd.s32 v19, v1;
	v20 =	vadd.s32 v20, v1;
	v23 =	vadd.s32 v23, v1  }
0x123: {  	v24 =	vadd.s32 v24, v1;
	v25 =	vadd.s32 v25, v1;
	v26 =	vadd.s32 v26, v1  }
0x124: {  	s17 =	sadd.s32 $0x6, s26;
	v27 =	vadd.s32 v27, v1;
	v29 =	vadd.s32 v29, v1;
	v30 =	vadd.s32 v30, v1  }
0x125: {  	v8 =	vand.u32 $0x75, v8;
	v3 =	vor.u32 v3, v5;
	v5 =	vmov s17  }
0x126: {  	v21 =	vadd.s32 v21, v1;
	v2 =	vor.u32 v2, v17;
	v4 =	vor.u32 v4, v18  }
0x127: {  	s22 =	simm.s32 $0x0;
	v6 =	vor.u32 v6, v19;
	v7 =	vor.u32 v7, v20;
	v9 =	vor.u32 v9, v23  }
0x128: {  	s24 =	sand.u32 $0x30, s22;
	v10 =	vor.u32 v10, v24;
	v11 =	vor.u32 v11, v25;
	v12 =	vor.u32 v12, v26  }
0x129: {  	s3 =	simm.s32 $0x10;
	s17 =	sadd.s32 $0xC, s26;
	v13 =	vor.u32 v13, v27;
	v17 =	vor.u32 s24, v1;
	v15 =	vor.u32 v15, v29  }
0x12a: {  	s26 =	sand.u32 $0xFFFFFFC0, s3;
	v16 =	vor.u32 v16, v30;
	v14 =	vmov s17;
	v22 =	vand.u32 $0xFFFFFF80, v5  }
0x12b: {  	s5 =	simm.s32 $0x4;
	s28 =	simm.s32 $0x0;
	v5 =	vand.u32 $0x76, v5;
	v8 =	vor.u32 v8, v21;
	s9 =	ssub.s32 $0x10, s26;
	v28 =	vand.u32 $0xFFFFFF80, v14  }
0x12c: {  	s25 =	sand.u32 $0x70, s5;
	s7 =	ssub.s32 $0x0, s26;
	v22 =	vadd.s32 v22, v1;
	v14 =	vand.u32 $0x7C, v14;
	s29 =	sadd.s32 $0x1, s9;
	v28 =	vadd.s32 v28, v1  }
0x12d: {  	s18 =	sadd.s32 $0x1F, s7;
	s19 =	sadd.s32 $0x2, s9;
	s20 =	sadd.s32 $0x3, s9;
	v5 =	vor.u32 v5, v22;
	v1 =	vmov s25;
	v18 =	vmov s29;
	v3 =	vld.idx.msk [tilespmem:v3+s15+$0x0], $0xffff  }
0x12e: {  	s21 =	sadd.s32 $0x4, s9;
	s22 =	sadd.s32 $0x5, s9;
	s26 =	sadd.s32 $0x17, s7;
	v19 =	vmov s18;
	v20 =	vmov s19;
	v22 =	vmov s20;
	v2 =	vld.idx.msk [tilespmem:v2+s15+$0x0], $0xffff  }
0x12f: {  	s23 =	simm.s32 $0x0;
	s11 =	sand.u32 $0xFFFF8000, s28;
	s28 =	sadd.s32 $0x9, s9;
	v23 =	vmov s21;
	v24 =	vmov s22;
	v25 =	vmov s26;
	v4 =	vld.idx.msk [tilespmem:v4+s15+$0x0], $0xffff  }
0x130: {  	s2 =	sand.u32 $0xFFFFFFC0, s23;
	s7 =	sadd.s32 $0x18, s7;
	v30 =	vmov s28;
	v14 =	vor.u32 v14, v28;
	v1 =	vshll.u32 v1, $0x7;
	v6 =	vld.idx.msk [tilespmem:v6+s15+$0x0], $0xffff  }
0x131: {  	s29 =	sadd.s32 $0xA, s9;
	s20 =	sadd.s32 $0xB, s9;
	s21 =	sadd.s32 $0xC, s9;
	v21 =	vand.u32 $0xFFFFFF80, v19;
	v19 =	vand.u32 $0x7F, v19;
	v28 =	vmov s7;
	v7 =	vld.idx.msk [tilespmem:v7+s15+$0x0], $0xffff  }
0x132: {  	s23 =	sadd.s32 $0x6, s9;
	s22 =	sadd.s32 $0xD, s9;
	s9 =	sadd.s32 $0xE, s9;
	v31 =	vmov s29;
	v32 =	vmov s20;
	v33 =	vmov s21;
	v37 =	vld.idx.msk [tilespmem:v9+s15+$0x0], $0xffff  }
0x133: {  	v34 =	vmov s22;
	v35 =	vmov s9;
	v26 =	vand.u32 $0xFFFFFF80, v20;
	v41 =	vld.idx.msk [tilespmem:v10+s15+$0x0], $0xffff  }
0x134: {  	s2 =	ssub.s32 s2, s11;
	v27 =	vand.u32 $0xFFFFFF80, v22;
	v38 =	vand.u32 $0xFFFFFF80, v30;
	v62 =	vand.u32 $0x72, v20;
	v45 =	vld.idx.msk [tilespmem:v11+s15+$0x0], $0xffff  }
0x135: {  	s2 =	sshra.s32 s2, $0x2;
	v63 =	vand.u32 $0x73, v22;
	v1 =	vor.u32 v0, v1;
	v9 =	vand.u32 $0xFFFFFF80, v28;
	v61 =	vld.idx.msk [tilespmem:v13+s15+$0x0], $0xffff  }
0x136: {  	s19 =	sadd.s32 $0x1B080, s2;
	v39 =	vand.u32 $0xFFFFFF80, v32;
	v40 =	vand.u32 $0xFFFFFF80, v33;
	v43 =	vand.u32 $0xFFFFFF80, v34;
	v13 =	vld.idx.msk [tilespmem:v15+s15+$0x0], $0xffff  }
0x137: {  	v44 =	vand.u32 $0xFFFFFF80, v35;
	v15 =	vld.idx.msk [tilespmem:v16+s15+$0x0], $0xffff;
	v20 =	vand.u32 $0x7B, v32;
	v21 =	vadd.s32 v21, v1;
	[tilespmem:s19+$0x700] =	vst v3  }
0x138: {  	v16 =	vld.idx.msk [tilespmem:v17+s15+$0x0], $0xffff;
	v22 =	vand.u32 $0x7C, v33;
	v17 =	vand.u32 $0x7E, v35;
	v19 =	vor.u32 v19, v21;
	[tilespmem:s19+$0x0] =	vst v2  }
0x139: {  	v46 =	vadd.s32 v26, v1;
	v47 =	vadd.s32 v27, v1;
	v10 =	vadd.s32 v9, v1;
	[tilespmem:s19+$0x80] =	vst v4  }
0x13a: {  	v48 =	vld.idx.msk [tilespmem:v12+s15+$0x0], $0xffff;
	v9 =	vadd.s32 v38, v1;
	v26 =	vand.u32 $0x74, v23;
	v21 =	vmov s23;
	[tilespmem:s19+$0x100] =	vst v6  }
0x13b: {  	v27 =	vand.u32 $0x75, v24;
	v29 =	vld.idx.msk [tilespmem:v5+s15+$0x0], $0xffff;
	v5 =	vand.u32 $0xFFFFFF80, v24;
	v36 =	vand.u32 $0xFFFFFF80, v21;
	[tilespmem:s19+$0x180] =	vst v7  }
0x13c: {  	v24 =	vand.u32 $0x77, v25;
	v11 =	vadd.s32 v5, v1;
	v12 =	vadd.s32 v36, v1;
	v3 =	vld.idx.msk [tilespmem:v8+s15+$0x0], $0xffff;
	[tilespmem:s19+$0x300] =	vst v37  }
0x13d: {  	s26 =	simm.s32 $0x2000;
	s23 =	simm.s32 $0x10;
	v8 =	vand.u32 $0xFFFFFF80, v18;
	v2 =	vand.u32 $0xFFFFFF80, v23;
	v4 =	vand.u32 $0xFFFFFF80, v25;
	[tilespmem:s19+$0x380] =	vst v41;
	v19 =	vld.idx.msk [tilespmem:v19+s15+$0x0], $0xffff  }
0x13e: {  	s7 =	sand.u32 $0xFFFF8000, s26;
	s2 =	sand.u32 $0xFFFFFFC0, s23;
	v14 =	vld.idx.msk [tilespmem:v14+s15+$0x0], $0xffff;
	v6 =	vand.u32 $0xFFFFFF80, v31;
	v23 =	vand.u32 $0x78, v28;
	v28 =	vand.u32 $0x79, v30;
	[tilespmem:s19+$0x400] =	vst v45  }
0x13f: {  	s2 =	ssub.s32 s2, s7;
	[tilespmem:s19+$0x480] =	vst v48;
	v25 =	vor.u32 v62, v46;
	v42 =	vadd.s32 v8, v1;
	v8 =	vadd.s32 v2, v1  }
0x140: {  	s22 =	simm.s32 $0x10;
	s2 =	sshra.s32 s2, $0x2;
	v7 =	vadd.s32 v4, v1;
	v5 =	vadd.s32 v6, v1;
	v6 =	vadd.s32 v39, v1;
	[tilespmem:s19+$0x280] =	vst v29  }
0x141: {  	s28 =	sshll.u32 s24, $0x7;
	s21 =	sand.u32 $0x30, s22;
	s30 =	sadd.s32 $0x1B880, s2;
	v4 =	vadd.s32 v40, v1;
	v2 =	vadd.s32 v43, v1;
	v29 =	vand.u32 $0x76, v21;
	[tilespmem:s19+$0x200] =	vst v3  }
0x142: {  	s24 =	sor.u32 s10, s28;
	s29 =	sshll.u32 s21, $0x7;
	v21 =	vand.u32 $0x7A, v31;
	v3 =	vadd.s32 v44, v1;
	[tilespmem:s30+$0x700] =	vst v19;
	v19 =	vand.u32 $0x71, v18  }
0x143: {  	s10 =	sor.u32 s25, s29;
	s25 =	simm.s32 $0x1B880;
	s7 =	sor.u32 $0x2, s14;
	[tilespmem:s19+$0x500] =	vst v61;
	v18 =	vand.u32 $0x7D, v34;
	v30 =	vor.u32 v19, v42;
	v19 =	vor.u32 v63, v47  }
.LBB2_15:
0x144: {  	v8 =	vor.u32 v26, v8;
	v11 =	vor.u32 v27, v11;
	v12 =	vor.u32 v29, v12;
	[tilespmem:s19+$0x580] =	vst v14;
	s2 =	smov.u32 s22;
	s22 =	sadd.s32 $0x10, s22  }
0x145: {  	v7 =	vor.u32 v24, v7;
	v10 =	vor.u32 v23, v10;
	v9 =	vor.u32 v28, v9;
	s3 =	sadd.s32 $0x10, s3;
	s28 =	sand.u32 $0x30, s22;
	[tilespmem:s19+$0x600] =	vst v13  }
0x146: {  	v5 =	vor.u32 v21, v5;
	v6 =	vor.u32 v20, v6;
	v4 =	vor.u32 v22, v4;
	s5 =	sadd.s32 $0x4, s5;
	s9 =	sand.u32 $0xFFFFFFC0, s3;
	s11 =	sshll.u32 s28, $0x7;
	[tilespmem:s19+$0x680] =	vst v15  }
0x147: {  	v20 =	vor.u32 s21, v1;
	v2 =	vor.u32 v18, v2;
	v3 =	vor.u32 v17, v3;
	s17 =	sand.u32 $0x70, s5;
	s18 =	ssub.s32 s22, s9;
	s2 =	ssub.s32 s2, s9;
	[tilespmem:s24+$0x1B000] =	vst v16  }
0x148: {  	v1 =	vmov s17;
	s9 =	sadd.s32 $0x1, s18;
	s19 =	sadd.s32 $0x2, s18;
	s20 =	sadd.s32 $0x1F, s2;
	v13 =	vld.idx.msk [tilespmem:v30+s15+$0x0], $0xffff  }
0x149: {  	v1 =	vshll.u32 v1, $0x7;
	s21 =	sadd.s32 $0x4, s18;
	s23 =	sadd.s32 $0x5, s18;
	v17 =	vmov s9;
	s9 =	sadd.s32 $0x3, s18;
	v14 =	vmov s20;
	v15 =	vld.idx.msk [tilespmem:v25+s15+$0x0], $0xffff  }
0x14a: {  	v1 =	vor.u32 v0, v1;
	v18 =	vmov s19;
	s19 =	sadd.s32 $0x6, s18;
	s20 =	sadd.s32 $0x17, s2;
	s2 =	sadd.s32 $0x18, s2;
	v16 =	vand.u32 $0xFFFFFF80, v14;
	v19 =	vld.idx.msk [tilespmem:v19+s15+$0x0], $0xffff  }
0x14b: {  	s24 =	sadd.s32 $0xA, s18;
	s26 =	sadd.s32 $0xB, s18;
	v21 =	vmov s9;
	s9 =	sadd.s32 $0x9, s18;
	v14 =	vand.u32 $0x7F, v14;
	v16 =	vadd.s32 v16, v1;
	v8 =	vld.idx.msk [tilespmem:v8+s15+$0x0], $0xffff  }
0x14c: {  	s29 =	sadd.s32 $0xD, s18;
	v22 =	vmov s21;
	v23 =	vmov s23;
	s23 =	sadd.s32 $0xC, s18;
	s18 =	sadd.s32 $0xE, s18;
	v14 =	vor.u32 v14, v16;
	v11 =	vld.idx.msk [tilespmem:v11+s15+$0x0], $0xffff  }
0x14d: {  	p2 =	slt.u32 s22, $0x1F0;
	s11 =	sor.u32 s17, s11;
	s21 =	smov.u32 s28;
	v24 =	vmov s19;
	v25 =	vmov s20;
	v28 =	vmov s2;
	v26 =	vld.idx.msk [tilespmem:v12+s15+$0x0], $0xffff  }
0x14e: {  	v31 =	vmov s24;
	v32 =	vmov s26;
	s24 =	smov.u32 s10;
	s10 =	smov.u32 s11;
	s19 =	smov.u32 s30;
	v30 =	vmov s9;
	v29 =	vld.idx.msk [tilespmem:v7+s15+$0x0], $0xffff  }
0x14f: {  	v34 =	vmov s29;
	v33 =	vmov s23;
	v35 =	vmov s18;
	v36 =	vld.idx.msk [tilespmem:v10+s15+$0x0], $0xffff  }
0x150: {  	v12 =	vand.u32 $0xFFFFFF80, v21;
	v7 =	vand.u32 $0xFFFFFF80, v17;
	v10 =	vand.u32 $0xFFFFFF80, v18;
	[tilespmem:s19+$0x0] =	vst v13;
	v37 =	vld.idx.msk [tilespmem:v9+s15+$0x0], $0xffff  }
0x151: {  	v27 =	vand.u32 $0xFFFFFF80, v24;
	v16 =	vand.u32 $0xFFFFFF80, v23;
	v9 =	vand.u32 $0xFFFFFF80, v22;
	v38 =	vld.idx.msk [tilespmem:v14+s15+$0x0], $0xffff;
	[tilespmem:s19+$0x80] =	vst v15  }
0x152: {  	s2 =	sshll.u32 s5, $0x2;
	s9 =	sshll.u32 s3, $0x9;
	v39 =	vand.u32 $0xFFFFFF80, v28;
	v40 =	vand.u32 $0xFFFFFF80, v30;
	v15 =	vand.u32 $0xFFFFFF80, v25;
	[tilespmem:s19+$0x100] =	vst v19;
	v19 =	vld.idx.msk [tilespmem:v5+s15+$0x0], $0xffff  }
0x153: {  	v41 =	vand.u32 $0xFFFFFF80, v32;
	s2 =	sand.u32 $0xFFFFFFC0, s2;
	v42 =	vand.u32 $0xFFFFFF80, v33;
	s9 =	sand.u32 $0xFFFF8000, s9;
	v5 =	vand.u32 $0xFFFFFF80, v31;
	[tilespmem:s19+$0x180] =	vst v8;
	v43 =	vld.idx.msk [tilespmem:v6+s15+$0x0], $0xffff  }
0x154: {  	v45 =	vand.u32 $0xFFFFFF80, v34;
	v46 =	vand.u32 $0xFFFFFF80, v35;
	s2 =	ssub.s32 s2, s9;
	v44 =	vadd.s32 v7, v1;
	[tilespmem:s19+$0x200] =	vst v11;
	v14 =	vld.idx.msk [tilespmem:v4+s15+$0x0], $0xffff  }
0x155: {  	s25 =	sadd.s32 $0x800, s25;
	s2 =	sshra.s32 s2, $0x2;
	v48 =	vadd.s32 v12, v1;
	v47 =	vadd.s32 v10, v1;
	v8 =	vadd.s32 v9, v1;
	v13 =	vld.idx.msk [tilespmem:v2+s15+$0x0], $0xffff  }
0x156: {  	s30 =	sadd.s32 s2, s25;
	v12 =	vadd.s32 v27, v1;
	v7 =	vadd.s32 v15, v1;
	v11 =	vadd.s32 v16, v1;
	v15 =	vld.idx.msk [tilespmem:v3+s15+$0x0], $0xffff  }
0x157: {  	v10 =	vadd.s32 v39, v1;
	v9 =	vadd.s32 v40, v1;
	v5 =	vadd.s32 v5, v1;
	[tilespmem:s30+$0x700] =	vst v38  }
0x158: {  	v6 =	vadd.s32 v41, v1;
	v4 =	vadd.s32 v42, v1;
	v2 =	vadd.s32 v45, v1;
	v16 =	vld.idx.msk [tilespmem:v20+s15+$0x0], $0xffff  }
0x159: {  	v39 =	vand.u32 $0x72, v18;
	v3 =	vadd.s32 v46, v1;
	v38 =	vand.u32 $0x71, v17;
	[tilespmem:s19+$0x280] =	vst v26  }
.Ltmp8:
0x15a: {  	v27 =	vand.u32 $0x75, v23;
	v40 =	vand.u32 $0x73, v21;
	v26 =	vand.u32 $0x74, v22;
	[tilespmem:s19+$0x300] =	vst v29;
	(pc) =	sbr.rel @p2 .LBB2_15-.Ltmp8, $4  }
0x15b: {  	v23 =	vand.u32 $0x78, v28;
	v29 =	vand.u32 $0x76, v24;
	v24 =	vand.u32 $0x77, v25;
	[tilespmem:s19+$0x380] =	vst v36  }
0x15c: {  	v28 =	vand.u32 $0x79, v30;
	v21 =	vand.u32 $0x7A, v31;
	v20 =	vand.u32 $0x7B, v32;
	[tilespmem:s19+$0x400] =	vst v37  }
0x15d: {  	v18 =	vand.u32 $0x7D, v34;
	v17 =	vand.u32 $0x7E, v35;
	v22 =	vand.u32 $0x7C, v33;
	[tilespmem:s19+$0x480] =	vst v19  }
0x15e: {  	v30 =	vor.u32 v38, v44;
	v25 =	vor.u32 v39, v47;
	v19 =	vor.u32 v40, v48;
	[tilespmem:s19+$0x500] =	vst v43  }
0x15f: {  	_ =	sdelay $0x1  }
0x160: {  	v8 =	vor.u32 v26, v8  }
0x161: {  	v11 =	vor.u32 v27, v11  }
0x162: {  	v12 =	vor.u32 v29, v12;
	v61 =	vld.idx.msk [tilespmem:v30+s15+$0x0], $0xffff  }
0x163: {  	[tilespmem:s19+$0x580] =	vst v14;
	v7 =	vor.u32 v24, v7;
	v62 =	vld.idx.msk [tilespmem:v25+s15+$0x0], $0xffff  }
0x164: {  	v10 =	vor.u32 v23, v10;
	[tilespmem:s19+$0x600] =	vst v13;
	v63 =	vld.idx.msk [tilespmem:v19+s15+$0x0], $0xffff  }
0x165: {  	v9 =	vor.u32 v28, v9;
	[tilespmem:s19+$0x680] =	vst v15;
	v8 =	vld.idx.msk [tilespmem:v8+s15+$0x0], $0xffff  }
0x166: {  	v5 =	vor.u32 v21, v5;
	[tilespmem:s24+$0x1B000] =	vst v16;
	v11 =	vld.idx.msk [tilespmem:v11+s15+$0x0], $0xffff  }
0x167: {  	v6 =	vor.u32 v20, v6;
	v12 =	vld.idx.msk [tilespmem:v12+s15+$0x0], $0xffff;
	[tilespmem:s30+$0x0] =	vst v61  }
0x168: {  	v4 =	vor.u32 v22, v4;
	v7 =	vld.idx.msk [tilespmem:v7+s15+$0x0], $0xffff;
	[tilespmem:s30+$0x80] =	vst v62  }
0x169: {  	v2 =	vor.u32 v18, v2;
	v10 =	vld.idx.msk [tilespmem:v10+s15+$0x0], $0xffff;
	[tilespmem:s30+$0x100] =	vst v63  }
0x16a: {  	v3 =	vor.u32 v17, v3;
	v9 =	vld.idx.msk [tilespmem:v9+s15+$0x0], $0xffff;
	[tilespmem:s30+$0x180] =	vst v8  }
0x16b: {  	v1 =	vor.u32 s21, v1;
	v5 =	vld.idx.msk [tilespmem:v5+s15+$0x0], $0xffff;
	[tilespmem:s30+$0x200] =	vst v11  }
0x16c: {  	s2 =	smulhi.u32 $0x51EB851F, s7;
	v6 =	vld.idx.msk [tilespmem:v6+s15+$0x0], $0xffff;
	[tilespmem:s30+$0x280] =	vst v12  }
0x16d: {  	v4 =	vld.idx.msk [tilespmem:v4+s15+$0x0], $0xffff;
	[tilespmem:s30+$0x300] =	vst v7  }
0x16e: {  	s2 =	sshrl.u32 s2, $0x4;
	v2 =	vld.idx.msk [tilespmem:v2+s15+$0x0], $0xffff;
	[tilespmem:s30+$0x380] =	vst v10  }
0x16f: {  	s3 =	smul.u32 $0xFFFFFFCE, s2;
	v3 =	vld.idx.msk [tilespmem:v3+s15+$0x0], $0xffff;
	[tilespmem:s30+$0x400] =	vst v9  }
0x170: {  	v1 =	vld.idx.msk [tilespmem:v1+s15+$0x0], $0xffff;
	[tilespmem:s30+$0x480] =	vst v5  }
0x171: {  	s2 =	sadd.s32 s6, s2;
	s3 =	sadd.s32 s7, s3;
	[tilespmem:s30+$0x500] =	vst v6  }
.Ltmp9:
0x172: {  	s2 =	sshll.u32 s2, $0xA;
	s3 =	sshll.u32 s3, $0x14;
	[tilespmem:s30+$0x580] =	vst v4;
	(pc) =	sbr.rel @p1 .LBB2_18-.Ltmp9, $4  }
0x173: {  	s2 =	sadd.s32 s2, s3;
	[tilespmem:s30+$0x600] =	vst v2  }
0x174: {  	s2 =	sshrl.u32 s2, $0x3;
	[tilespmem:s30+$0x680] =	vst v3  }
0x175: {  	s5 =	simm.s32 $0x1B000;
	s2 =	sadd.s32 s31, s2;
	[tilespmem:s10+$0x1B000] =	vst v1;
	s30 =	simm.s32 $0x400  }
0x176: {  	[hbm4b:s2+s30] =	stream.strided.scatter [tilespmem:s5], [sflag:$0x7], $0x2000, s4, s30, $0x38;
	[tilespmem:$0x1F000] =	vst v63  }
.Ltmp10:
0x177: {  	(pc) =	sbr.rel .LBB2_19-.Ltmp10, $4  }
0x178: {  	s2 =	simm.s32 $0x4  }
0x179: {  	_ =	swait.ge [sflag:s2], $0x4000  }
0x17a: {  	[sflag:s2] =	ssyncset.done $0x0  }
0x17b: {  	[sflag:s2] =	ssyncadd.s32 $0xFFFFC000  }
.LBB2_18:
0x17c: {  	s2 =	sadd.s32 $0x6, s14  }
0x17d: {  	s3 =	smulhi.u32 $0x51EB851F, s2;
	_ =	sdelay $0x1  }
0x17e: {  	s5 =	sshrl.u32 s3, $0x4  }
0x17f: {  	s5 =	smul.u32 $0xFFFFFFCE, s5;
	_ =	sdelay $0x1  }
0x180: {  	s2 =	sadd.s32 s2, s5  }
0x181: {  	s28 =	rddreg [dreg:$0x3];
	s3 =	sshll.u32 s3, $0x6;
	s5 =	sshll.u32 s2, $0x9  }
0x182: {  	s3 =	sand.u32 $0x3FFFFC00, s3;
	s2 =	sshll.u32 s2, $0x7;
	s5 =	sand.u32 $0xFFFFF000, s5  }
0x183: {  	s29 =	simm.s32 $0x80;
	s2 =	sand.u32 $0x300, s2;
	s3 =	sadd.s32 s3, s5  }
.Ltmp11:
0x184: {  	s30 =	simm.s32 $0x4;
	s2 =	sor.u32 s2, s3;
	(pc) =	sbr.rel @p0 .LBB2_20-.Ltmp11, $4  }
0x185: {  	[tilespmem:s15], [sflag:$0x3] =	stream.indirect.gather [hbm4b:s28+s29], $0x80, s2, s29, $0xb8;
	[tilespmem:$0x1F000] =	vst v63  }
0x186: {  	_ =	swait.ge [sflag:s30], $0x4000  }
0x187: {  	[sflag:s30] =	ssyncset.done $0x0  }
0x188: {  	[sflag:s30] =	ssyncadd.s32 $0xFFFFC000  }
.LBB2_19:
0x189: {  	s2 =	simm.s32 $0x8  }
0x18a: {  	_ =	swait.ge [sflag:s2], $0x2000  }
0x18b: {  	[sflag:s2] =	ssyncset.done $0x0  }
0x18c: {  	[sflag:s2] =	ssyncadd.s32 $0xFFFFE000  }
.LBB2_20:
0x18d: {  	s2 =	simm.s32 $0x0  }
0x18e: {  	s3 =	sand.u32 $0xFFFFFFC0, s2;
	s7 =	sand.u32 $0x70, s2  }
0x18f: {  	s22 =	ssub.s32 $0x0, s3;
	s3 =	ssub.s32 $0xFFFFFFF0, s3;
	v1 =	vmov s7  }
0x190: {  	s5 =	sadd.s32 $0x1, s22;
	s9 =	sadd.s32 $0x1F, s3;
	v1 =	vshll.u32 v1, $0x7  }
0x191: {  	s10 =	sadd.s32 $0x2, s22;
	s23 =	sadd.s32 $0x3, s22;
	s24 =	sadd.s32 $0x4, s22;
	v2 =	vmov s5;
	v3 =	vmov s9;
	v1 =	vor.u32 v0, v1  }
0x192: {  	s25 =	sadd.s32 $0x5, s22;
	s28 =	sadd.s32 $0x17, s3;
	s3 =	sadd.s32 $0x18, s3;
	v4 =	vmov s10;
	v6 =	vmov s23;
	v7 =	vmov s24  }
0x193: {  	s11 =	sadd.s32 $0x9, s22;
	s29 =	sadd.s32 $0xA, s22;
	s30 =	sadd.s32 $0xB, s22;
	v8 =	vmov s25;
	v9 =	vmov s28;
	v10 =	vmov s3  }
0x194: {  	s14 =	sadd.s32 $0xC, s22;
	s17 =	sadd.s32 $0xD, s22;
	s2 =	sadd.s32 $0xE, s22;
	v11 =	vmov s11;
	v12 =	vmov s29;
	v13 =	vmov s30  }
0x195: {  	v14 =	vmov s14;
	v15 =	vmov s17;
	v16 =	vmov s2  }
0x196: {  	v5 =	vand.u32 $0xFFFFFF80, v3;
	v3 =	vand.u32 $0x7F, v3;
	v17 =	vand.u32 $0xFFFFFF80, v2  }
0x197: {  	v18 =	vand.u32 $0xFFFFFF80, v4;
	v19 =	vand.u32 $0xFFFFFF80, v6;
	v20 =	vand.u32 $0xFFFFFF80, v7  }
0x198: {  	v21 =	vand.u32 $0xFFFFFF80, v8;
	v23 =	vand.u32 $0xFFFFFF80, v9;
	v24 =	vand.u32 $0xFFFFFF80, v10  }
0x199: {  	v25 =	vand.u32 $0xFFFFFF80, v11;
	v26 =	vand.u32 $0xFFFFFF80, v12;
	v27 =	vand.u32 $0xFFFFFF80, v13  }
0x19a: {  	v28 =	vand.u32 $0xFFFFFF80, v14;
	v29 =	vand.u32 $0xFFFFFF80, v15;
	v30 =	vand.u32 $0xFFFFFF80, v16  }
0x19b: {  	v2 =	vand.u32 $0x71, v2;
	v4 =	vand.u32 $0x72, v4;
	v6 =	vand.u32 $0x73, v6  }
0x19c: {  	v7 =	vand.u32 $0x74, v7;
	v8 =	vand.u32 $0x75, v8;
	v9 =	vand.u32 $0x77, v9  }
0x19d: {  	v10 =	vand.u32 $0x78, v10;
	v11 =	vand.u32 $0x79, v11;
	v12 =	vand.u32 $0x7A, v12  }
0x19e: {  	v13 =	vand.u32 $0x7B, v13;
	v14 =	vand.u32 $0x7C, v14;
	v15 =	vand.u32 $0x7D, v15  }
0x19f: {  	v16 =	vand.u32 $0x7E, v16;
	v5 =	vadd.s32 v5, v1;
	v17 =	vadd.s32 v17, v1  }
0x1a0: {  	v18 =	vadd.s32 v18, v1;
	v19 =	vadd.s32 v19, v1;
	v20 =	vadd.s32 v20, v1  }
0x1a1: {  	v21 =	vadd.s32 v21, v1;
	v23 =	vadd.s32 v23, v1;
	v24 =	vadd.s32 v24, v1  }
0x1a2: {  	v25 =	vadd.s32 v25, v1;
	v26 =	vadd.s32 v26, v1;
	v27 =	vadd.s32 v27, v1  }
0x1a3: {  	s26 =	sadd.s32 $0x6, s22;
	v28 =	vadd.s32 v28, v1;
	v29 =	vadd.s32 v29, v1;
	v30 =	vadd.s32 v30, v1  }
0x1a4: {  	v3 =	vor.u32 v3, v5;
	v5 =	vmov s26;
	v2 =	vor.u32 v2, v17  }
0x1a5: {  	s18 =	simm.s32 $0x0;
	v4 =	vor.u32 v4, v18;
	v6 =	vor.u32 v6, v19;
	v7 =	vor.u32 v7, v20  }
0x1a6: {  	s19 =	simm.s32 $0x0;
	s21 =	simm.s32 $0x0;
	s3 =	simm.s32 $0x10;
	v8 =	vor.u32 v8, v21;
	v9 =	vor.u32 v9, v23;
	v10 =	vor.u32 v10, v24  }
0x1a7: {  	s22 =	sand.u32 $0x30, s18;
	s5 =	simm.s32 $0x4;
	s20 =	sand.u32 $0xFFFFFFC0, s3;
	v11 =	vor.u32 v11, v25;
	v12 =	vor.u32 v12, v26;
	v13 =	vor.u32 v13, v27  }
0x1a8: {  	s11 =	sand.u32 $0xFFFF8000, s21;
	s10 =	ssub.s32 $0x10, s20;
	s9 =	ssub.s32 $0x0, s20;
	v14 =	vor.u32 v14, v28;
	v17 =	vor.u32 s22, v1;
	v15 =	vor.u32 v15, v29  }
0x1a9: {  	v16 =	vor.u32 v16, v30;
	s23 =	sadd.s32 $0x1, s10;
	s17 =	sadd.s32 $0x1F, s9;
	s18 =	sadd.s32 $0x2, s10;
	v22 =	vand.u32 $0xFFFFFF80, v5;
	v5 =	vand.u32 $0x76, v5  }
0x1aa: {  	s26 =	sadd.s32 $0x4, s10;
	s28 =	sadd.s32 $0x5, s10;
	s30 =	sadd.s32 $0x17, s9;
	v18 =	vmov s23;
	v19 =	vmov s17;
	v20 =	vmov s18  }
0x1ab: {  	s9 =	sadd.s32 $0x18, s9;
	s20 =	sadd.s32 $0x9, s10;
	s21 =	sadd.s32 $0xA, s10;
	v23 =	vmov s26;
	v24 =	vmov s28;
	v25 =	vmov s30;
	v3 =	vld.idx.msk [tilespmem:v3+s16+$0x0], $0xffff  }
0x1ac: {  	s2 =	sand.u32 $0xFFFFFFC0, s19;
	s25 =	sand.u32 $0x70, s5;
	s19 =	sadd.s32 $0xB, s10;
	v28 =	vmov s9;
	v30 =	vmov s20;
	v31 =	vmov s21;
	v2 =	vld.idx.msk [tilespmem:v2+s16+$0x0], $0xffff  }
0x1ad: {  	s23 =	sadd.s32 $0xC, s10;
	v32 =	vmov s19;
	v22 =	vadd.s32 v22, v1;
	v1 =	vmov s25;
	v4 =	vld.idx.msk [tilespmem:v4+s16+$0x0], $0xffff  }
0x1ae: {  	v21 =	vand.u32 $0xFFFFFF80, v19;
	v19 =	vand.u32 $0x7F, v19;
	v33 =	vmov s23;
	v6 =	vld.idx.msk [tilespmem:v6+s16+$0x0], $0xffff  }
0x1af: {  	v26 =	vand.u32 $0xFFFFFF80, v20;
	v38 =	vand.u32 $0xFFFFFF80, v30;
	v39 =	vand.u32 $0xFFFFFF80, v32;
	v7 =	vld.idx.msk [tilespmem:v7+s16+$0x0], $0xffff  }
0x1b0: {  	s2 =	ssub.s32 s2, s11;
	s24 =	sadd.s32 $0x3, s10;
	v62 =	vand.u32 $0x72, v20;
	v20 =	vand.u32 $0x7B, v32;
	v5 =	vor.u32 v5, v22;
	v37 =	vld.idx.msk [tilespmem:v9+s16+$0x0], $0xffff  }
0x1b1: {  	s29 =	sadd.s32 $0x6, s10;
	v1 =	vshll.u32 v1, $0x7;
	v22 =	vmov s24;
	s24 =	sadd.s32 $0xD, s10;
	s10 =	sadd.s32 $0xE, s10;
	v40 =	vand.u32 $0xFFFFFF80, v33;
	v41 =	vld.idx.msk [tilespmem:v10+s16+$0x0], $0xffff  }
0x1b2: {  	s2 =	sshra.s32 s2, $0x2;
	v1 =	vor.u32 v0, v1;
	v34 =	vmov s24;
	v35 =	vmov s10;
	v45 =	vld.idx.msk [tilespmem:v11+s16+$0x0], $0xffff  }
0x1b3: {  	s14 =	sadd.s32 $0x1D080, s2;
	v27 =	vand.u32 $0xFFFFFF80, v22;
	v63 =	vand.u32 $0x73, v22;
	v22 =	vand.u32 $0x7C, v33;
	v48 =	vld.idx.msk [tilespmem:v12+s16+$0x0], $0xffff  }
0x1b4: {  	v21 =	vadd.s32 v21, v1;
	v9 =	vand.u32 $0xFFFFFF80, v28;
	v43 =	vand.u32 $0xFFFFFF80, v34;
	v61 =	vld.idx.msk [tilespmem:v13+s16+$0x0], $0xffff;
	[tilespmem:s14+$0x700] =	vst v3  }
0x1b5: {  	v44 =	vand.u32 $0xFFFFFF80, v35;
	v46 =	vadd.s32 v26, v1;
	v13 =	vld.idx.msk [tilespmem:v15+s16+$0x0], $0xffff;
	v19 =	vor.u32 v19, v21;
	[tilespmem:s14+$0x0] =	vst v2  }
0x1b6: {  	v47 =	vadd.s32 v27, v1;
	v26 =	vand.u32 $0x74, v23;
	v27 =	vand.u32 $0x75, v24;
	v15 =	vld.idx.msk [tilespmem:v16+s16+$0x0], $0xffff;
	[tilespmem:s14+$0x80] =	vst v4  }
0x1b7: {  	v16 =	vld.idx.msk [tilespmem:v17+s16+$0x0], $0xffff;
	v17 =	vand.u32 $0x7E, v35;
	v21 =	vmov s29;
	v10 =	vadd.s32 v9, v1;
	[tilespmem:s14+$0x100] =	vst v6  }
0x1b8: {  	v9 =	vadd.s32 v38, v1;
	v36 =	vand.u32 $0xFFFFFF80, v21;
	v29 =	vld.idx.msk [tilespmem:v5+s16+$0x0], $0xffff;
	v5 =	vand.u32 $0xFFFFFF80, v24;
	[tilespmem:s14+$0x180] =	vst v7  }
0x1b9: {  	v12 =	vadd.s32 v36, v1;
	v24 =	vand.u32 $0x77, v25;
	v11 =	vadd.s32 v5, v1;
	v3 =	vld.idx.msk [tilespmem:v8+s16+$0x0], $0xffff;
	[tilespmem:s14+$0x300] =	vst v37  }
0x1ba: {  	s26 =	simm.s32 $0x10;
	s28 =	simm.s32 $0x2000;
	v8 =	vand.u32 $0xFFFFFF80, v18;
	v2 =	vand.u32 $0xFFFFFF80, v23;
	v4 =	vand.u32 $0xFFFFFF80, v25;
	[tilespmem:s14+$0x380] =	vst v41;
	v19 =	vld.idx.msk [tilespmem:v19+s16+$0x0], $0xffff  }
0x1bb: {  	s2 =	sand.u32 $0xFFFFFFC0, s26;
	s9 =	sand.u32 $0xFFFF8000, s28;
	v14 =	vld.idx.msk [tilespmem:v14+s16+$0x0], $0xffff;
	v6 =	vand.u32 $0xFFFFFF80, v31;
	v23 =	vand.u32 $0x78, v28;
	v28 =	vand.u32 $0x79, v30;
	[tilespmem:s14+$0x400] =	vst v45  }
0x1bc: {  	s2 =	ssub.s32 s2, s9;
	[tilespmem:s14+$0x480] =	vst v48;
	v25 =	vor.u32 v62, v46;
	v42 =	vadd.s32 v8, v1;
	v8 =	vadd.s32 v2, v1  }
0x1bd: {  	s19 =	simm.s32 $0x10;
	s2 =	sshra.s32 s2, $0x2;
	v7 =	vadd.s32 v4, v1;
	v5 =	vadd.s32 v6, v1;
	v6 =	vadd.s32 v39, v1;
	[tilespmem:s14+$0x280] =	vst v29  }
0x1be: {  	s21 =	sand.u32 $0x30, s19;
	s10 =	sadd.s32 $0x1D880, s2;
	v4 =	vadd.s32 v40, v1;
	v2 =	vadd.s32 v43, v1;
	v29 =	vand.u32 $0x76, v21;
	[tilespmem:s14+$0x200] =	vst v3  }
0x1bf: {  	s30 =	sshll.u32 s21, $0x7;
	s29 =	sshll.u32 s22, $0x7;
	v21 =	vand.u32 $0x7A, v31;
	v3 =	vadd.s32 v44, v1;
	[tilespmem:s10+$0x700] =	vst v19;
	v19 =	vand.u32 $0x71, v18  }
0x1c0: {  	s22 =	simm.s32 $0x1D880;
	s24 =	sor.u32 s7, s29;
	s7 =	sor.u32 s25, s30;
	[tilespmem:s14+$0x500] =	vst v61;
	v18 =	vand.u32 $0x7D, v34;
	v30 =	vor.u32 v19, v42;
	v19 =	vor.u32 v63, v47  }
.LBB2_21:
0x1c1: {  	v8 =	vor.u32 v26, v8;
	v11 =	vor.u32 v27, v11;
	v12 =	vor.u32 v29, v12;
	[tilespmem:s14+$0x580] =	vst v14;
	s2 =	smov.u32 s19;
	s19 =	sadd.s32 $0x10, s19  }
0x1c2: {  	v7 =	vor.u32 v24, v7;
	v10 =	vor.u32 v23, v10;
	v9 =	vor.u32 v28, v9;
	s3 =	sadd.s32 $0x10, s3;
	s25 =	sand.u32 $0x30, s19;
	[tilespmem:s14+$0x600] =	vst v13  }
0x1c3: {  	v5 =	vor.u32 v21, v5;
	v6 =	vor.u32 v20, v6;
	v4 =	vor.u32 v22, v4;
	s5 =	sadd.s32 $0x4, s5;
	s9 =	sand.u32 $0xFFFFFFC0, s3;
	s11 =	sshll.u32 s25, $0x7;
	[tilespmem:s14+$0x680] =	vst v15  }
0x1c4: {  	v20 =	vor.u32 s21, v1;
	v2 =	vor.u32 v18, v2;
	v3 =	vor.u32 v17, v3;
	s14 =	sand.u32 $0x70, s5;
	s17 =	ssub.s32 s19, s9;
	s2 =	ssub.s32 s2, s9;
	[tilespmem:s24+$0x1D000] =	vst v16  }
0x1c5: {  	v1 =	vmov s14;
	s9 =	sadd.s32 $0x1, s17;
	s18 =	sadd.s32 $0x2, s17;
	s20 =	sadd.s32 $0x1F, s2;
	v13 =	vld.idx.msk [tilespmem:v30+s16+$0x0], $0xffff  }
0x1c6: {  	s21 =	sadd.s32 $0x4, s17;
	s23 =	sadd.s32 $0x5, s17;
	v1 =	vshll.u32 v1, $0x7;
	v17 =	vmov s9;
	s9 =	sadd.s32 $0x3, s17;
	v14 =	vmov s20;
	v15 =	vld.idx.msk [tilespmem:v25+s16+$0x0], $0xffff  }
0x1c7: {  	v18 =	vmov s18;
	s18 =	sadd.s32 $0x6, s17;
	s20 =	sadd.s32 $0x17, s2;
	s2 =	sadd.s32 $0x18, s2;
	v1 =	vor.u32 v0, v1;
	v16 =	vand.u32 $0xFFFFFF80, v14;
	v19 =	vld.idx.msk [tilespmem:v19+s16+$0x0], $0xffff  }
0x1c8: {  	s24 =	sadd.s32 $0xA, s17;
	s26 =	sadd.s32 $0xB, s17;
	v21 =	vmov s9;
	s9 =	sadd.s32 $0x9, s17;
	v14 =	vand.u32 $0x7F, v14;
	v16 =	vadd.s32 v16, v1;
	v8 =	vld.idx.msk [tilespmem:v8+s16+$0x0], $0xffff  }
0x1c9: {  	s28 =	sadd.s32 $0xD, s17;
	v22 =	vmov s21;
	v23 =	vmov s23;
	s23 =	sadd.s32 $0xC, s17;
	s17 =	sadd.s32 $0xE, s17;
	v14 =	vor.u32 v14, v16;
	v11 =	vld.idx.msk [tilespmem:v11+s16+$0x0], $0xffff  }
0x1ca: {  	p0 =	slt.u32 s19, $0x1F0;
	s11 =	sor.u32 s14, s11;
	s21 =	smov.u32 s25;
	v24 =	vmov s18;
	v25 =	vmov s20;
	v28 =	vmov s2;
	v26 =	vld.idx.msk [tilespmem:v12+s16+$0x0], $0xffff  }
0x1cb: {  	s14 =	smov.u32 s10;
	v31 =	vmov s24;
	v32 =	vmov s26;
	s24 =	smov.u32 s7;
	s7 =	smov.u32 s11;
	v30 =	vmov s9;
	v29 =	vld.idx.msk [tilespmem:v7+s16+$0x0], $0xffff  }
0x1cc: {  	v34 =	vmov s28;
	v33 =	vmov s23;
	v35 =	vmov s17;
	v36 =	vld.idx.msk [tilespmem:v10+s16+$0x0], $0xffff  }
0x1cd: {  	v12 =	vand.u32 $0xFFFFFF80, v21;
	v7 =	vand.u32 $0xFFFFFF80, v17;
	v10 =	vand.u32 $0xFFFFFF80, v18;
	[tilespmem:s14+$0x0] =	vst v13;
	v37 =	vld.idx.msk [tilespmem:v9+s16+$0x0], $0xffff  }
0x1ce: {  	v27 =	vand.u32 $0xFFFFFF80, v24;
	v16 =	vand.u32 $0xFFFFFF80, v23;
	v9 =	vand.u32 $0xFFFFFF80, v22;
	v38 =	vld.idx.msk [tilespmem:v14+s16+$0x0], $0xffff;
	[tilespmem:s14+$0x80] =	vst v15  }
0x1cf: {  	s2 =	sshll.u32 s5, $0x2;
	s9 =	sshll.u32 s3, $0x9;
	v39 =	vand.u32 $0xFFFFFF80, v28;
	v40 =	vand.u32 $0xFFFFFF80, v30;
	v15 =	vand.u32 $0xFFFFFF80, v25;
	[tilespmem:s14+$0x100] =	vst v19;
	v19 =	vld.idx.msk [tilespmem:v5+s16+$0x0], $0xffff  }
0x1d0: {  	v41 =	vand.u32 $0xFFFFFF80, v32;
	s2 =	sand.u32 $0xFFFFFFC0, s2;
	v42 =	vand.u32 $0xFFFFFF80, v33;
	s9 =	sand.u32 $0xFFFF8000, s9;
	v5 =	vand.u32 $0xFFFFFF80, v31;
	[tilespmem:s14+$0x180] =	vst v8;
	v43 =	vld.idx.msk [tilespmem:v6+s16+$0x0], $0xffff  }
0x1d1: {  	v45 =	vand.u32 $0xFFFFFF80, v34;
	v46 =	vand.u32 $0xFFFFFF80, v35;
	s2 =	ssub.s32 s2, s9;
	v44 =	vadd.s32 v7, v1;
	[tilespmem:s14+$0x200] =	vst v11;
	v14 =	vld.idx.msk [tilespmem:v4+s16+$0x0], $0xffff  }
0x1d2: {  	s22 =	sadd.s32 $0x800, s22;
	s2 =	sshra.s32 s2, $0x2;
	v48 =	vadd.s32 v12, v1;
	v47 =	vadd.s32 v10, v1;
	v8 =	vadd.s32 v9, v1;
	v13 =	vld.idx.msk [tilespmem:v2+s16+$0x0], $0xffff  }
0x1d3: {  	s10 =	sadd.s32 s2, s22;
	v12 =	vadd.s32 v27, v1;
	v7 =	vadd.s32 v15, v1;
	v11 =	vadd.s32 v16, v1;
	v15 =	vld.idx.msk [tilespmem:v3+s16+$0x0], $0xffff  }
0x1d4: {  	v10 =	vadd.s32 v39, v1;
	v9 =	vadd.s32 v40, v1;
	v5 =	vadd.s32 v5, v1;
	[tilespmem:s10+$0x700] =	vst v38  }
0x1d5: {  	v6 =	vadd.s32 v41, v1;
	v4 =	vadd.s32 v42, v1;
	v2 =	vadd.s32 v45, v1;
	v16 =	vld.idx.msk [tilespmem:v20+s16+$0x0], $0xffff  }
0x1d6: {  	v39 =	vand.u32 $0x72, v18;
	v3 =	vadd.s32 v46, v1;
	v38 =	vand.u32 $0x71, v17;
	[tilespmem:s14+$0x280] =	vst v26  }
.Ltmp12:
0x1d7: {  	v27 =	vand.u32 $0x75, v23;
	v40 =	vand.u32 $0x73, v21;
	v26 =	vand.u32 $0x74, v22;
	[tilespmem:s14+$0x300] =	vst v29;
	(pc) =	sbr.rel @p0 .LBB2_21-.Ltmp12, $4  }
0x1d8: {  	v23 =	vand.u32 $0x78, v28;
	v29 =	vand.u32 $0x76, v24;
	v24 =	vand.u32 $0x77, v25;
	[tilespmem:s14+$0x380] =	vst v36  }
0x1d9: {  	v28 =	vand.u32 $0x79, v30;
	v21 =	vand.u32 $0x7A, v31;
	v20 =	vand.u32 $0x7B, v32;
	[tilespmem:s14+$0x400] =	vst v37  }
0x1da: {  	v18 =	vand.u32 $0x7D, v34;
	v17 =	vand.u32 $0x7E, v35;
	v22 =	vand.u32 $0x7C, v33;
	[tilespmem:s14+$0x480] =	vst v19  }
0x1db: {  	v30 =	vor.u32 v38, v44;
	v25 =	vor.u32 v39, v47;
	v19 =	vor.u32 v40, v48;
	[tilespmem:s14+$0x500] =	vst v43  }
0x1dc: {  	_ =	sdelay $0x1  }
0x1dd: {  	v8 =	vor.u32 v26, v8  }
0x1de: {  	v11 =	vor.u32 v27, v11  }
0x1df: {  	v12 =	vor.u32 v29, v12;
	v61 =	vld.idx.msk [tilespmem:v30+s16+$0x0], $0xffff  }
0x1e0: {  	[tilespmem:s14+$0x580] =	vst v14;
	v7 =	vor.u32 v24, v7;
	v62 =	vld.idx.msk [tilespmem:v25+s16+$0x0], $0xffff  }
0x1e1: {  	v10 =	vor.u32 v23, v10;
	[tilespmem:s14+$0x600] =	vst v13;
	v63 =	vld.idx.msk [tilespmem:v19+s16+$0x0], $0xffff  }
0x1e2: {  	v9 =	vor.u32 v28, v9;
	[tilespmem:s14+$0x680] =	vst v15;
	v8 =	vld.idx.msk [tilespmem:v8+s16+$0x0], $0xffff  }
0x1e3: {  	v5 =	vor.u32 v21, v5;
	[tilespmem:s24+$0x1D000] =	vst v16;
	v11 =	vld.idx.msk [tilespmem:v11+s16+$0x0], $0xffff  }
0x1e4: {  	v6 =	vor.u32 v20, v6;
	v12 =	vld.idx.msk [tilespmem:v12+s16+$0x0], $0xffff;
	[tilespmem:s10+$0x0] =	vst v61  }
0x1e5: {  	v4 =	vor.u32 v22, v4;
	v7 =	vld.idx.msk [tilespmem:v7+s16+$0x0], $0xffff;
	[tilespmem:s10+$0x80] =	vst v62  }
0x1e6: {  	v2 =	vor.u32 v18, v2;
	v10 =	vld.idx.msk [tilespmem:v10+s16+$0x0], $0xffff;
	[tilespmem:s10+$0x100] =	vst v63  }
0x1e7: {  	v3 =	vor.u32 v17, v3;
	v9 =	vld.idx.msk [tilespmem:v9+s16+$0x0], $0xffff;
	[tilespmem:s10+$0x180] =	vst v8  }
0x1e8: {  	v1 =	vor.u32 s21, v1;
	v5 =	vld.idx.msk [tilespmem:v5+s16+$0x0], $0xffff;
	[tilespmem:s10+$0x200] =	vst v11  }
0x1e9: {  	v6 =	vld.idx.msk [tilespmem:v6+s16+$0x0], $0xffff;
	[tilespmem:s10+$0x280] =	vst v12  }
0x1ea: {  	v4 =	vld.idx.msk [tilespmem:v4+s16+$0x0], $0xffff;
	[tilespmem:s10+$0x300] =	vst v7  }
0x1eb: {  	v2 =	vld.idx.msk [tilespmem:v2+s16+$0x0], $0xffff;
	[tilespmem:s10+$0x380] =	vst v10  }
0x1ec: {  	v3 =	vld.idx.msk [tilespmem:v3+s16+$0x0], $0xffff;
	[tilespmem:s10+$0x400] =	vst v9  }
0x1ed: {  	s0 =	sadd.s32 $0x1, s0;
	v1 =	vld.idx.msk [tilespmem:v1+s16+$0x0], $0xffff;
	[tilespmem:s10+$0x480] =	vst v5  }
0x1ee: {  	s1 =	sadd.s32 s1, s6;
	p0 =	sne.s32 s0, $0x32;
	[tilespmem:s10+$0x500] =	vst v6  }
.Ltmp13:
0x1ef: {  	s2 =	sshll.u32 s8, $0x14;
	s1 =	sshll.u32 s1, $0xA;
	[tilespmem:s10+$0x580] =	vst v4;
	(pc) =	sbr.rel @p0 .LBB2_2-.Ltmp13, $4  }
0x1f0: {  	s1 =	sor.u32 s1, s2;
	[tilespmem:s10+$0x600] =	vst v2  }
0x1f1: {  	s1 =	sshrl.u32 s1, $0x3;
	[tilespmem:s10+$0x680] =	vst v3  }
0x1f2: {  	s30 =	simm.s32 $0x400;
	s3 =	simm.s32 $0x1D000;
	s1 =	sadd.s32 s31, s1;
	[tilespmem:s7+$0x1D000] =	vst v1  }
0x1f3: {  	[hbm4b:s1+s30] =	stream.strided.scatter [tilespmem:s3], [sflag:$0x8], $0x2000, s4, s30, $0x38;
	[tilespmem:$0x1F000] =	vst v63  }
0x1f4: {  	s0 =	simm.s32 $0x5  }
0x1f5: {  	_ =	swait.ge [sflag:s0], $0x2000  }
0x1f6: {  	[sflag:s0] =	ssyncset.done $0x0  }
0x1f7: {  	s28 =	simm.s32 $0x6;
	[sflag:s0] =	ssyncadd.s32 $0xFFFFE000  }
0x1f8: {  	_ =	swait.ge [sflag:s28], $0x2000  }
0x1f9: {  	[sflag:s28] =	ssyncset.done $0x0  }
0x1fa: {  	s29 =	simm.s32 $0x7;
	[sflag:s28] =	ssyncadd.s32 $0xFFFFE000  }
0x1fb: {  	_ =	swait.ge [sflag:s29], $0x2000  }
0x1fc: {  	[sflag:s29] =	ssyncset.done $0x0  }
0x1fd: {  	s1 =	simm.s32 $0x8;
	[sflag:s29] =	ssyncadd.s32 $0xFFFFE000  }
0x1fe: {  	_ =	swait.ge [sflag:s1], $0x2000  }
0x1ff: {  	s2 =	rddreg [dreg:$0x6]  }
0x200: {  	s30 =	rddreg [dreg:$0x5];
	s2 =	sadd.s32 $0x1, s2  }
0x201: {  	p0 =	sne.s32 s2, s30  }
.Ltmp14:
0x202: {  	_ = 	snop;
	(pc) =	sbr.rel @p0 .LBB2_1-.Ltmp14, $3  }
0x203: {  	_ =	sdelay $0x1  }
0x204: {  	[sflag:s1] =	ssyncset.done $0x0  }
0x205: {  	[sflag:s1] =	ssyncadd.s32 $0xFFFFE000  }
0x206: {  	_ =	sfence.sel $0x180000  }
0x207: {  	[bflag:$0x0] =	sbarrier.arrive $0xFFFF  }
0x208: {  	_ =	strace $0x90000047  }
0x209: {  	s0 =	stileid.u32;
	[bflag:$0x2] =	sbarrier.arrive $0xFFFF  }
0x20a: {  	p0 =	sne.s32 s0, $0x0;
	s0 =	rddreg [dreg:$0x2]  }
0x20b: {  	s0 =	sadd.s32 @!p0 $0x100000, s0  }
0x20c: {  	[sflag:s0] =	ssyncadd.tile.s32 @!p0 $0x1;
	_ =	shalt  }
.Lfunc_end2:
_tile_overlayer_lowered:
.L_overlay_start_2:
0x20d: {  	(tag) =	ssettag $0x2  }
0x20e: {  	s0 =	rddreg [dreg:$0x0];
	s2 =	stileid.u32  }
0x20f: {  	s1 =	rddreg [dreg:$0x1];
	p0 =	sne.s32 s2, $0x0  }
0x210: {  	s3 =	rddreg [dreg:$0x2];
	[bflag:$0x3] =	sbarrier.arrive $0xFFFF;
	s2 =	simm.s32 @!p0 $0x1C09  }
0x211: {  	[timem:s3], [sflag:s2] =	dma.local @!p0 [hbm:s0], s1  }
0x212: {  	s0 =	simm.s32 @!p0 $0x9  }
0x213: {  	_ =	swait.ge @!p0 [sflag:s0], s1  }
0x214: {  	s1 =	ssub.s32 @!p0 $0x0, s1;
	[sflag:s0] =	ssyncset.done @!p0 $0x0  }
0x215: {  	[sflag:s0] =	ssyncadd.s32 @!p0 s1  }
0x216: {  	[bflag:$0x3] =	sbarrier.arrive $0xFFFF  }
0x217: {  	_ =	shalt  }

</sc_bundles>
